<compile_context>
chip_gen: v7x
topology: tpu7x:2x2x1
jax: 0.10.2.dev20260603
libtpu: 0.0.44.dev20260713+nightly
codegen_flags: <defaults>
</compile_context>

<pallas_src>
import functools

import jax
import jax.numpy as jnp
from jax import lax
from jax.experimental import pallas as pl
from jax.experimental.pallas import tpu as pltpu
from jax.experimental.pallas import tpu_sc as plsc

D = 128


@functools.lru_cache(maxsize=None)
def _gmf_kernel(B, b_per_w, ch, nc):
  n_ch = b_per_w // ch
  mesh = plsc.VectorSubcoreMesh(core_axis_name="c", subcore_axis_name="s")

  @functools.partial(
      pl.kernel,
      mesh=mesh,
      compiler_params=pltpu.CompilerParams(needs_layout_passes=False),
      out_type=jax.ShapeDtypeStruct((B,), jnp.float32),
      scratch_types=[
          pltpu.VMEM((b_per_w,), jnp.int32),
          pltpu.VMEM((b_per_w,), jnp.int32),
          pltpu.VMEM((2, ch, D), jnp.float32),
          pltpu.VMEM((2, ch, D), jnp.float32),
          pltpu.VMEM((128,), jnp.float32),
          pltpu.VMEM((16,), jnp.float32),
          pltpu.VMEM((ch * 16,), jnp.float32),
          pltpu.VMEM((b_per_w,), jnp.float32),
          pltpu.SemaphoreType.DMA,
          pltpu.SemaphoreType.DMA,
          pltpu.SemaphoreType.DMA,
          pltpu.SemaphoreType.DMA,
      ],
  )
  def k(users_hbm, items_hbm, ut_hbm, it_hbm, w_hbm, b_hbm, out_hbm,
        uidx, iidx, ubuf, vbuf, wb, bb, accbuf, outv,
        sem_u0, sem_u1, sem_v0, sem_v1):
    wid = lax.axis_index("s") * nc + lax.axis_index("c")
    base = wid * b_per_w
    cu0 = pltpu.async_copy(users_hbm.at[pl.ds(base, ch)], uidx.at[pl.ds(0, ch)], sem_u0)
    cv0 = pltpu.async_copy(items_hbm.at[pl.ds(base, ch)], iidx.at[pl.ds(0, ch)], sem_v0)
    rest = b_per_w - ch
    cu1 = pltpu.async_copy(
        users_hbm.at[pl.ds(base + ch, rest)], uidx.at[pl.ds(ch, rest)], sem_u1)
    cv1 = pltpu.async_copy(
        items_hbm.at[pl.ds(base + ch, rest)], iidx.at[pl.ds(ch, rest)], sem_v1)
    cu0.wait()
    cv0.wait()
    sems_u = (sem_u0, sem_u1)
    sems_v = (sem_v0, sem_v1)

    def start(c, p):
      pltpu.async_copy(
          ut_hbm.at[uidx.at[pl.ds(c * ch, ch)]], ubuf.at[p], sems_u[p])
      pltpu.async_copy(
          it_hbm.at[iidx.at[pl.ds(c * ch, ch)]], vbuf.at[p], sems_v[p])

    def wait(p):
      pltpu.make_async_copy(
          ut_hbm.at[uidx.at[pl.ds(0, ch)]], ubuf.at[p], sems_u[p]).wait()
      pltpu.make_async_copy(
          it_hbm.at[iidx.at[pl.ds(0, ch)]], vbuf.at[p], sems_v[p]).wait()

    start(0, 0)
    cu1.wait()
    cv1.wait()
    start(1, 1)
    pltpu.sync_copy(w_hbm, wb)
    pltpu.sync_copy(b_hbm, bb)
    wvecs = [wb[pl.ds(16 * j, 16)] for j in range(8)]
    col16 = lax.iota(jnp.int32, 16) * 16
    bias_vec = bb[pl.ds(0, 16)]

    def compute(c, p):
      urows = ubuf.at[p]
      vrows = vbuf.at[p]

      @plsc.parallel_loop(0, ch, step=1, unroll=2)
      def _(i):
        acc = urows[i, pl.ds(0, 16)] * vrows[i, pl.ds(0, 16)] * wvecs[0]
        for j in range(1, 8):
          acc = acc + urows[i, pl.ds(16 * j, 16)] * vrows[i, pl.ds(16 * j, 16)] * wvecs[j]
        accbuf[pl.ds(i * 16, 16)] = acc

      @plsc.parallel_loop(0, ch // 16, step=1)
      def _(g):
        gbase = g * 256
        s = plsc.load_gather(accbuf, [col16 + gbase])
        for l in range(1, 16):
          s = s + plsc.load_gather(accbuf, [col16 + (gbase + l)])
        outv[pl.ds(c * ch + g * 16, 16)] = s + bias_vec

    n_pairs = n_ch // 2

    def pair_body(q, _):
      c0 = 2 * q
      wait(0)
      compute(c0, 0)

      @pl.when(q < n_pairs - 1)
      def _():
        start(c0 + 2, 0)

      wait(1)
      compute(c0 + 1, 1)

      @pl.when(q < n_pairs - 1)
      def _():
        start(c0 + 3, 1)

      return 0

    lax.fori_loop(0, n_pairs, pair_body, 0)
    pltpu.sync_copy(outv, out_hbm.at[pl.ds(base, b_per_w)])

  return k


def kernel(users, items, user_table, item_table, W, b):
  B = users.shape[0]
  info = plsc.get_sparse_core_info()
  nw = info.num_cores * info.num_subcores
  k = _gmf_kernel(B, B // nw, 128, info.num_cores)
  return k(users.astype(jnp.int32), items.astype(jnp.int32),
           user_table, item_table, W.reshape(-1),
           jnp.broadcast_to(b, (16,)))

# --- scband reference (transcript-rebuilt; emitter-appended) ---
"""Pipeline reference for scband-gmf-59906203845065 (READ-ONLY COPY).

The authoritative reference and input builder live on the scoring server;
editing this copy changes nothing except your own understanding.
"""

import jax, jax.numpy as jnp
import numpy as np

N_USERS = 1000000
N_ITEMS = 1000000
EMB_DIM = 128
BATCH = 16384


def setup_inputs(seed: int = 0) -> dict:
    key = jax.random.key(seed)
    k1, k2, k3, k4, k5, k6 = jax.random.split(key, 6)
    users = jax.random.randint(k1, (BATCH,), 0, N_USERS, dtype=jnp.int64 if jax.config.jax_enable_x64 else jnp.int32)
    items = jax.random.randint(k2, (BATCH,), 0, N_ITEMS, dtype=jnp.int64 if jax.config.jax_enable_x64 else jnp.int32)
    user_table = jax.random.normal(k3, (N_USERS, EMB_DIM), dtype=jnp.float32) * 0.02
    item_table = jax.random.normal(k4, (N_ITEMS, EMB_DIM), dtype=jnp.float32) * 0.02
    W = jax.random.normal(k5, (EMB_DIM, 1), dtype=jnp.float32) * (1.0 / np.sqrt(EMB_DIM))
    b = jax.random.normal(k6, (1,), dtype=jnp.float32) * 0.01
    return {"users": users, "items": items, "user_table": user_table, "item_table": item_table, "W": W, "b": b}


def reference(users, items, user_table, item_table, W, b):
    u = jnp.take(user_table, users, axis=0)          # [B, D]
    v = jnp.take(item_table, items, axis=0)          # [B, D]
    h = u * v                                        # [B, D] elementwise (GMF)
    out = h @ W + b                                  # [B, 1]
    return jnp.squeeze(out, axis=-1)                 # [B]

if __name__ == "__main__":
    import jax
    _d = setup_inputs()
    print(jax.jit(kernel)(*tuple(_d.values())))

</pallas_src>

<mosaic_0001>
#map = affine_map<(d0, d1) -> (0)>
#map1 = affine_map<(d0, d1) -> (0, 0)>
module attributes {stable_mosaic.version = 14 : i64} {
  func.func @k(%arg0: i32, %arg1: i32, %arg2: memref<16384xi32, #tpu.memory_space<hbm>>, %arg3: memref<16384xi32, #tpu.memory_space<hbm>>, %arg4: memref<1000000x128xf32, #tpu.memory_space<hbm>>, %arg5: memref<1000000x128xf32, #tpu.memory_space<hbm>>, %arg6: memref<128xf32, #tpu.memory_space<hbm>>, %arg7: memref<16xf32, #tpu.memory_space<hbm>>, %arg8: memref<16384xf32, #tpu.memory_space<hbm>>, %arg9: memref<512xi32, #tpu.memory_space<vmem>>, %arg10: memref<512xi32, #tpu.memory_space<vmem>>, %arg11: memref<2x128x128xf32, #tpu.memory_space<vmem>>, %arg12: memref<2x128x128xf32, #tpu.memory_space<vmem>>, %arg13: memref<128xf32, #tpu.memory_space<vmem>>, %arg14: memref<16xf32, #tpu.memory_space<vmem>>, %arg15: memref<2048xf32, #tpu.memory_space<vmem>>, %arg16: memref<512xf32, #tpu.memory_space<vmem>>, %arg17: memref<!tpu.dma_semaphore, #tpu.memory_space<semaphore_mem>>, %arg18: memref<!tpu.dma_semaphore, #tpu.memory_space<semaphore_mem>>, %arg19: memref<!tpu.dma_semaphore, #tpu.memory_space<semaphore_mem>>, %arg20: memref<!tpu.dma_semaphore, #tpu.memory_space<semaphore_mem>>) attributes {dimension_semantics = [#tpu.dimension_semantics<core_parallel>, #tpu.dimension_semantics<subcore_parallel>], iteration_bounds = array<i64: 2, 16>, scalar_prefetch = 0 : i64, scratch_operands = 12 : i64, tpu.core_type = #tpu.core_type<sc_vector_subcore>, window_params = [{transform_indices = #map}, {transform_indices = #map}, {transform_indices = #map1}, {transform_indices = #map1}, {transform_indices = #map}, {transform_indices = #map}, {transform_indices = #map}]} {
    %mul3A = arith.constant 2 : i32
    %mul3A_0 = arith.muli %arg1, %mul3A : i32
    %add3A = arith.addi %mul3A_0, %arg0 : i32
    %mul3A_1 = arith.constant 512 : i32
    %mul3A_2 = arith.muli %add3A, %mul3A_1 : i32
    %dma_start3A = arith.constant 0 : i32
    %dma_start3A_3 = tpu.memref_slice %arg9[%dma_start3A] : memref<512xi32, #tpu.memory_space<vmem>> -> memref<128xi32, #tpu.memory_space<vmem>>
    %dma_start3A_4 = tpu.memref_slice %arg2[%mul3A_2] : memref<16384xi32, #tpu.memory_space<hbm>> -> memref<128xi32, #tpu.memory_space<hbm>>
    %dma_start3A_5 = arith.constant 0 : i32
    %dma_start3A_6 = tpu.memref_slice %arg9[%dma_start3A_5] : memref<512xi32, #tpu.memory_space<vmem>> -> memref<128xi32, #tpu.memory_space<vmem>>
    %dma_start3A_7 = tpu.memref_slice %arg2[%mul3A_2] : memref<16384xi32, #tpu.memory_space<hbm>> -> memref<128xi32, #tpu.memory_space<hbm>>
    tpu.enqueue_dma source(%dma_start3A_7 : memref<128xi32, #tpu.memory_space<hbm>>) target(%dma_start3A_6 : memref<128xi32, #tpu.memory_space<vmem>>) target_semaphore(%arg17 : memref<!tpu.dma_semaphore, #tpu.memory_space<semaphore_mem>>)
    %dma_start3A_8 = arith.constant 0 : i32
    %dma_start3A_9 = tpu.memref_slice %arg10[%dma_start3A_8] : memref<512xi32, #tpu.memory_space<vmem>> -> memref<128xi32, #tpu.memory_space<vmem>>
    %dma_start3A_10 = tpu.memref_slice %arg3[%mul3A_2] : memref<16384xi32, #tpu.memory_space<hbm>> -> memref<128xi32, #tpu.memory_space<hbm>>
    %dma_start3A_11 = arith.constant 0 : i32
    %dma_start3A_12 = tpu.memref_slice %arg10[%dma_start3A_11] : memref<512xi32, #tpu.memory_space<vmem>> -> memref<128xi32, #tpu.memory_space<vmem>>
    %dma_start3A_13 = tpu.memref_slice %arg3[%mul3A_2] : memref<16384xi32, #tpu.memory_space<hbm>> -> memref<128xi32, #tpu.memory_space<hbm>>
    tpu.enqueue_dma source(%dma_start3A_13 : memref<128xi32, #tpu.memory_space<hbm>>) target(%dma_start3A_12 : memref<128xi32, #tpu.memory_space<vmem>>) target_semaphore(%arg19 : memref<!tpu.dma_semaphore, #tpu.memory_space<semaphore_mem>>)
    %add3A_14 = arith.constant 128 : i32
    %add3A_15 = arith.addi %mul3A_2, %add3A_14 : i32
    %dma_start3A_16 = arith.constant 128 : i32
    %dma_start3A_17 = tpu.memref_slice %arg9[%dma_start3A_16] : memref<512xi32, #tpu.memory_space<vmem>> -> memref<384xi32, #tpu.memory_space<vmem>>
    %dma_start3A_18 = tpu.memref_slice %arg2[%add3A_15] : memref<16384xi32, #tpu.memory_space<hbm>> -> memref<384xi32, #tpu.memory_space<hbm>>
    %dma_start3A_19 = arith.constant 128 : i32
    %dma_start3A_20 = tpu.memref_slice %arg9[%dma_start3A_19] : memref<512xi32, #tpu.memory_space<vmem>> -> memref<384xi32, #tpu.memory_space<vmem>>
    %dma_start3A_21 = tpu.memref_slice %arg2[%add3A_15] : memref<16384xi32, #tpu.memory_space<hbm>> -> memref<384xi32, #tpu.memory_space<hbm>>
    tpu.enqueue_dma source(%dma_start3A_21 : memref<384xi32, #tpu.memory_space<hbm>>) target(%dma_start3A_20 : memref<384xi32, #tpu.memory_space<vmem>>) target_semaphore(%arg18 : memref<!tpu.dma_semaphore, #tpu.memory_space<semaphore_mem>>)
    %add3A_22 = arith.constant 128 : i32
    %add3A_23 = arith.addi %mul3A_2, %add3A_22 : i32
    %dma_start3A_24 = arith.constant 128 : i32
    %dma_start3A_25 = tpu.memref_slice %arg10[%dma_start3A_24] : memref<512xi32, #tpu.memory_space<vmem>> -> memref<384xi32, #tpu.memory_space<vmem>>
    %dma_start3A_26 = tpu.memref_slice %arg3[%add3A_23] : memref<16384xi32, #tpu.memory_space<hbm>> -> memref<384xi32, #tpu.memory_space<hbm>>
    %dma_start3A_27 = arith.constant 128 : i32
    %dma_start3A_28 = tpu.memref_slice %arg10[%dma_start3A_27] : memref<512xi32, #tpu.memory_space<vmem>> -> memref<384xi32, #tpu.memory_space<vmem>>
    %dma_start3A_29 = tpu.memref_slice %arg3[%add3A_23] : memref<16384xi32, #tpu.memory_space<hbm>> -> memref<384xi32, #tpu.memory_space<hbm>>
    tpu.enqueue_dma source(%dma_start3A_29 : memref<384xi32, #tpu.memory_space<hbm>>) target(%dma_start3A_28 : memref<384xi32, #tpu.memory_space<vmem>>) target_semaphore(%arg20 : memref<!tpu.dma_semaphore, #tpu.memory_space<semaphore_mem>>)
    %dma_wait3A = arith.constant 0 : i32
    %dma_wait3A_30 = tpu.memref_slice %arg9[%dma_wait3A] : memref<512xi32, #tpu.memory_space<vmem>> -> memref<128xi32, #tpu.memory_space<vmem>>
    %dma_wait3A_31 = tpu.memref_slice %arg2[%mul3A_2] : memref<16384xi32, #tpu.memory_space<hbm>> -> memref<128xi32, #tpu.memory_space<hbm>>
    %dma_wait3A_32 = arith.constant 0 : i32
    %dma_wait3A_33 = tpu.memref_slice %arg9[%dma_wait3A_32] : memref<512xi32, #tpu.memory_space<vmem>> -> memref<128xi32, #tpu.memory_space<vmem>>
    %dma_wait3A_34 = tpu.memref_slice %arg2[%mul3A_2] : memref<16384xi32, #tpu.memory_space<hbm>> -> memref<128xi32, #tpu.memory_space<hbm>>
    tpu.wait_dma2 semaphore(%arg17 : memref<!tpu.dma_semaphore, #tpu.memory_space<semaphore_mem>>) src(%dma_wait3A_34 : memref<128xi32, #tpu.memory_space<hbm>>) dst(%dma_wait3A_33 : memref<128xi32, #tpu.memory_space<vmem>>)
    %dma_wait3A_35 = arith.constant 0 : i32
    %dma_wait3A_36 = tpu.memref_slice %arg10[%dma_wait3A_35] : memref<512xi32, #tpu.memory_space<vmem>> -> memref<128xi32, #tpu.memory_space<vmem>>
    %dma_wait3A_37 = tpu.memref_slice %arg3[%mul3A_2] : memref<16384xi32, #tpu.memory_space<hbm>> -> memref<128xi32, #tpu.memory_space<hbm>>
    %dma_wait3A_38 = arith.constant 0 : i32
    %dma_wait3A_39 = tpu.memref_slice %arg10[%dma_wait3A_38] : memref<512xi32, #tpu.memory_space<vmem>> -> memref<128xi32, #tpu.memory_space<vmem>>
    %dma_wait3A_40 = tpu.memref_slice %arg3[%mul3A_2] : memref<16384xi32, #tpu.memory_space<hbm>> -> memref<128xi32, #tpu.memory_space<hbm>>
    tpu.wait_dma2 semaphore(%arg19 : memref<!tpu.dma_semaphore, #tpu.memory_space<semaphore_mem>>) src(%dma_wait3A_40 : memref<128xi32, #tpu.memory_space<hbm>>) dst(%dma_wait3A_39 : memref<128xi32, #tpu.memory_space<vmem>>)
    %dma_start3A_41 = arith.constant 0 : i32
    %dma_start3A_42 = arith.constant 0 : i32
    %dma_start3A_43 = arith.constant 0 : i32
    %dma_start3A_44 = tpu.memref_slice %arg11[%dma_start3A_41, %dma_start3A_42, %dma_start3A_43] : memref<2x128x128xf32, #tpu.memory_space<vmem>> -> memref<1x128x128xf32, #tpu.memory_space<vmem>>
    %dma_start3A_45 = tpu.memref_squeeze %dma_start3A_44 : memref<1x128x128xf32, #tpu.memory_space<vmem>> -> memref<128x128xf32, #tpu.memory_space<vmem>>
    %dma_start3A_46 = arith.constant 0 : i32
    %dma_start3A_47 = tpu.memref_slice %arg9[%dma_start3A_46] : memref<512xi32, #tpu.memory_space<vmem>> -> memref<128xi32, #tpu.memory_space<vmem>>
    %dma_start3A_48 = arith.constant 0 : i32
    %dma_start3A_49 = arith.constant 0 : i32
    %dma_start3A_50 = tpu.memref_slice %arg4[%dma_start3A_48, %dma_start3A_49] : memref<1000000x128xf32, #tpu.memory_space<hbm>> -> memref<1000000x128xf32, #tpu.memory_space<hbm>>
    tpu.enqueue_indirect_dma source(%dma_start3A_50 : memref<1000000x128xf32, #tpu.memory_space<hbm>>) target(%dma_start3A_45 : memref<128x128xf32, #tpu.memory_space<vmem>>) offsets(%dma_start3A_47 : memref<128xi32, #tpu.memory_space<vmem>>) semaphore(%arg17 : memref<!tpu.dma_semaphore, #tpu.memory_space<semaphore_mem>>)
    %dma_start3A_51 = arith.constant 0 : i32
    %dma_start3A_52 = arith.constant 0 : i32
    %dma_start3A_53 = arith.constant 0 : i32
    %dma_start3A_54 = tpu.memref_slice %arg12[%dma_start3A_51, %dma_start3A_52, %dma_start3A_53] : memref<2x128x128xf32, #tpu.memory_space<vmem>> -> memref<1x128x128xf32, #tpu.memory_space<vmem>>
    %dma_start3A_55 = tpu.memref_squeeze %dma_start3A_54 : memref<1x128x128xf32, #tpu.memory_space<vmem>> -> memref<128x128xf32, #tpu.memory_space<vmem>>
    %dma_start3A_56 = arith.constant 0 : i32
    %dma_start3A_57 = tpu.memref_slice %arg10[%dma_start3A_56] : memref<512xi32, #tpu.memory_space<vmem>> -> memref<128xi32, #tpu.memory_space<vmem>>
    %dma_start3A_58 = arith.constant 0 : i32
    %dma_start3A_59 = arith.constant 0 : i32
    %dma_start3A_60 = tpu.memref_slice %arg5[%dma_start3A_58, %dma_start3A_59] : memref<1000000x128xf32, #tpu.memory_space<hbm>> -> memref<1000000x128xf32, #tpu.memory_space<hbm>>
    tpu.enqueue_indirect_dma source(%dma_start3A_60 : memref<1000000x128xf32, #tpu.memory_space<hbm>>) target(%dma_start3A_55 : memref<128x128xf32, #tpu.memory_space<vmem>>) offsets(%dma_start3A_57 : memref<128xi32, #tpu.memory_space<vmem>>) semaphore(%arg19 : memref<!tpu.dma_semaphore, #tpu.memory_space<semaphore_mem>>)
    %dma_wait3A_61 = arith.constant 128 : i32
    %dma_wait3A_62 = tpu.memref_slice %arg9[%dma_wait3A_61] : memref<512xi32, #tpu.memory_space<vmem>> -> memref<384xi32, #tpu.memory_space<vmem>>
    %dma_wait3A_63 = tpu.memref_slice %arg2[%add3A_15] : memref<16384xi32, #tpu.memory_space<hbm>> -> memref<384xi32, #tpu.memory_space<hbm>>
    %dma_wait3A_64 = arith.constant 128 : i32
    %dma_wait3A_65 = tpu.memref_slice %arg9[%dma_wait3A_64] : memref<512xi32, #tpu.memory_space<vmem>> -> memref<384xi32, #tpu.memory_space<vmem>>
    %dma_wait3A_66 = tpu.memref_slice %arg2[%add3A_15] : memref<16384xi32, #tpu.memory_space<hbm>> -> memref<384xi32, #tpu.memory_space<hbm>>
    tpu.wait_dma2 semaphore(%arg18 : memref<!tpu.dma_semaphore, #tpu.memory_space<semaphore_mem>>) src(%dma_wait3A_66 : memref<384xi32, #tpu.memory_space<hbm>>) dst(%dma_wait3A_65 : memref<384xi32, #tpu.memory_space<vmem>>)
    %dma_wait3A_67 = arith.constant 128 : i32
    %dma_wait3A_68 = tpu.memref_slice %arg10[%dma_wait3A_67] : memref<512xi32, #tpu.memory_space<vmem>> -> memref<384xi32, #tpu.memory_space<vmem>>
    %dma_wait3A_69 = tpu.memref_slice %arg3[%add3A_23] : memref<16384xi32, #tpu.memory_space<hbm>> -> memref<384xi32, #tpu.memory_space<hbm>>
    %dma_wait3A_70 = arith.constant 128 : i32
    %dma_wait3A_71 = tpu.memref_slice %arg10[%dma_wait3A_70] : memref<512xi32, #tpu.memory_space<vmem>> -> memref<384xi32, #tpu.memory_space<vmem>>
    %dma_wait3A_72 = tpu.memref_slice %arg3[%add3A_23] : memref<16384xi32, #tpu.memory_space<hbm>> -> memref<384xi32, #tpu.memory_space<hbm>>
    tpu.wait_dma2 semaphore(%arg20 : memref<!tpu.dma_semaphore, #tpu.memory_space<semaphore_mem>>) src(%dma_wait3A_72 : memref<384xi32, #tpu.memory_space<hbm>>) dst(%dma_wait3A_71 : memref<384xi32, #tpu.memory_space<vmem>>)
    %dma_start3A_73 = arith.constant 1 : i32
    %dma_start3A_74 = arith.constant 0 : i32
    %dma_start3A_75 = arith.constant 0 : i32
    %dma_start3A_76 = tpu.memref_slice %arg11[%dma_start3A_73, %dma_start3A_74, %dma_start3A_75] : memref<2x128x128xf32, #tpu.memory_space<vmem>> -> memref<1x128x128xf32, #tpu.memory_space<vmem>>
    %dma_start3A_77 = tpu.memref_squeeze %dma_start3A_76 : memref<1x128x128xf32, #tpu.memory_space<vmem>> -> memref<128x128xf32, #tpu.memory_space<vmem>>
    %dma_start3A_78 = arith.constant 128 : i32
    %dma_start3A_79 = tpu.memref_slice %arg9[%dma_start3A_78] : memref<512xi32, #tpu.memory_space<vmem>> -> memref<128xi32, #tpu.memory_space<vmem>>
    %dma_start3A_80 = arith.constant 0 : i32
    %dma_start3A_81 = arith.constant 0 : i32
    %dma_start3A_82 = tpu.memref_slice %arg4[%dma_start3A_80, %dma_start3A_81] : memref<1000000x128xf32, #tpu.memory_space<hbm>> -> memref<1000000x128xf32, #tpu.memory_space<hbm>>
    tpu.enqueue_indirect_dma source(%dma_start3A_82 : memref<1000000x128xf32, #tpu.memory_space<hbm>>) target(%dma_start3A_77 : memref<128x128xf32, #tpu.memory_space<vmem>>) offsets(%dma_start3A_79 : memref<128xi32, #tpu.memory_space<vmem>>) semaphore(%arg18 : memref<!tpu.dma_semaphore, #tpu.memory_space<semaphore_mem>>)
    %dma_start3A_83 = arith.constant 1 : i32
    %dma_start3A_84 = arith.constant 0 : i32
    %dma_start3A_85 = arith.constant 0 : i32
    %dma_start3A_86 = tpu.memref_slice %arg12[%dma_start3A_83, %dma_start3A_84, %dma_start3A_85] : memref<2x128x128xf32, #tpu.memory_space<vmem>> -> memref<1x128x128xf32, #tpu.memory_space<vmem>>
    %dma_start3A_87 = tpu.memref_squeeze %dma_start3A_86 : memref<1x128x128xf32, #tpu.memory_space<vmem>> -> memref<128x128xf32, #tpu.memory_space<vmem>>
    %dma_start3A_88 = arith.constant 128 : i32
    %dma_start3A_89 = tpu.memref_slice %arg10[%dma_start3A_88] : memref<512xi32, #tpu.memory_space<vmem>> -> memref<128xi32, #tpu.memory_space<vmem>>
    %dma_start3A_90 = arith.constant 0 : i32
    %dma_start3A_91 = arith.constant 0 : i32
    %dma_start3A_92 = tpu.memref_slice %arg5[%dma_start3A_90, %dma_start3A_91] : memref<1000000x128xf32, #tpu.memory_space<hbm>> -> memref<1000000x128xf32, #tpu.memory_space<hbm>>
    tpu.enqueue_indirect_dma source(%dma_start3A_92 : memref<1000000x128xf32, #tpu.memory_space<hbm>>) target(%dma_start3A_87 : memref<128x128xf32, #tpu.memory_space<vmem>>) offsets(%dma_start3A_89 : memref<128xi32, #tpu.memory_space<vmem>>) semaphore(%arg20 : memref<!tpu.dma_semaphore, #tpu.memory_space<semaphore_mem>>)
    "tpu.region"() ({
      %run_scoped3A = tpu.sem_alloc : memref<!tpu.dma_semaphore, #tpu.memory_space<semaphore_mem>>
      tpu.enqueue_dma source(%arg6 : memref<128xf32, #tpu.memory_space<hbm>>) target(%arg13 : memref<128xf32, #tpu.memory_space<vmem>>) target_semaphore(%run_scoped3A : memref<!tpu.dma_semaphore, #tpu.memory_space<semaphore_mem>>)
      tpu.wait_dma2 semaphore(%run_scoped3A : memref<!tpu.dma_semaphore, #tpu.memory_space<semaphore_mem>>) src(%arg6 : memref<128xf32, #tpu.memory_space<hbm>>) dst(%arg13 : memref<128xf32, #tpu.memory_space<vmem>>)
      tpu.yield
    }) : () -> ()
    "tpu.region"() ({
      %run_scoped3A = tpu.sem_alloc : memref<!tpu.dma_semaphore, #tpu.memory_space<semaphore_mem>>
      tpu.enqueue_dma source(%arg7 : memref<16xf32, #tpu.memory_space<hbm>>) target(%arg14 : memref<16xf32, #tpu.memory_space<vmem>>) target_semaphore(%run_scoped3A : memref<!tpu.dma_semaphore, #tpu.memory_space<semaphore_mem>>)
      tpu.wait_dma2 semaphore(%run_scoped3A : memref<!tpu.dma_semaphore, #tpu.memory_space<semaphore_mem>>) src(%arg7 : memref<16xf32, #tpu.memory_space<hbm>>) dst(%arg14 : memref<16xf32, #tpu.memory_space<vmem>>)
      tpu.yield
    }) : () -> ()
    %get3A = arith.constant 0 : index
    %get3A_93 = tpu.vector_load %arg13[%get3A] {strides = array<i32>} : memref<128xf32, #tpu.memory_space<vmem>>, vector<16xf32>,
    %get3A_94 = arith.constant 16 : index
    %get3A_95 = tpu.vector_load %arg13[%get3A_94] {strides = array<i32>} : memref<128xf32, #tpu.memory_space<vmem>>, vector<16xf32>,
    %get3A_96 = arith.constant 32 : index
    %get3A_97 = tpu.vector_load %arg13[%get3A_96] {strides = array<i32>} : memref<128xf32, #tpu.memory_space<vmem>>, vector<16xf32>,
    %get3A_98 = arith.constant 48 : index
    %get3A_99 = tpu.vector_load %arg13[%get3A_98] {strides = array<i32>} : memref<128xf32, #tpu.memory_space<vmem>>, vector<16xf32>,
    %get3A_100 = arith.constant 64 : index
    %get3A_101 = tpu.vector_load %arg13[%get3A_100] {strides = array<i32>} : memref<128xf32, #tpu.memory_space<vmem>>, vector<16xf32>,
    %get3A_102 = arith.constant 80 : index
    %get3A_103 = tpu.vector_load %arg13[%get3A_102] {strides = array<i32>} : memref<128xf32, #tpu.memory_space<vmem>>, vector<16xf32>,
    %get3A_104 = arith.constant 96 : index
    %get3A_105 = tpu.vector_load %arg13[%get3A_104] {strides = array<i32>} : memref<128xf32, #tpu.memory_space<vmem>>, vector<16xf32>,
    %get3A_106 = arith.constant 112 : index
    %get3A_107 = tpu.vector_load %arg13[%get3A_106] {strides = array<i32>} : memref<128xf32, #tpu.memory_space<vmem>>, vector<16xf32>,
    %iota3A = tpu.iota {dimensions = array<i32: 0>} : vector<16xi32>
    %mul3A_108 = arith.constant 16 : i32
    %mul3A_109 = vector.broadcast %mul3A_108 : i32 to vector<16xi32>
    %mul3A_110 = arith.muli %iota3A, %mul3A_109 : vector<16xi32>
    %get3A_111 = arith.constant 0 : index
    %get3A_112 = tpu.vector_load %arg14[%get3A_111] {strides = array<i32>} : memref<16xf32, #tpu.memory_space<vmem>>, vector<16xf32>,
    %scan3A = arith.constant 0 : i32
    %scan3A_113 = arith.constant 0 : i32
    %scan3A_114 = arith.constant 2 : i32
    %scan3A_115 = arith.addi %scan3A_113, %scan3A_114 : i32
    %scan3A_116 = arith.constant 1 : i32
    %scan3A_117 = scf.for %scan3A_119 = %scan3A_113 to %scan3A_115 step %scan3A_116 iter_args(%scan3A_120 = %scan3A) -> (i32)  : i32 {
      %mul3A_121 = arith.constant 2 : i32
      %mul3A_122 = arith.muli %mul3A_121, %scan3A_119 : i32
      %dma_wait3A_123 = arith.constant 0 : i32
      %dma_wait3A_124 = arith.constant 0 : i32
      %dma_wait3A_125 = arith.constant 0 : i32
      %dma_wait3A_126 = tpu.memref_slice %arg11[%dma_wait3A_123, %dma_wait3A_124, %dma_wait3A_125] : memref<2x128x128xf32, #tpu.memory_space<vmem>> -> memref<1x128x128xf32, #tpu.memory_space<vmem>>
      %dma_wait3A_127 = tpu.memref_squeeze %dma_wait3A_126 : memref<1x128x128xf32, #tpu.memory_space<vmem>> -> memref<128x128xf32, #tpu.memory_space<vmem>>
      %dma_wait3A_128 = arith.constant 0 : i32
      %dma_wait3A_129 = tpu.memref_slice %arg9[%dma_wait3A_128] : memref<512xi32, #tpu.memory_space<vmem>> -> memref<128xi32, #tpu.memory_space<vmem>>
      %dma_wait3A_130 = arith.constant 0 : i32
      %dma_wait3A_131 = arith.constant 0 : i32
      %dma_wait3A_132 = tpu.memref_slice %arg4[%dma_wait3A_130, %dma_wait3A_131] : memref<1000000x128xf32, #tpu.memory_space<hbm>> -> memref<1000000x128xf32, #tpu.memory_space<hbm>>
      tpu.wait_indirect_dma semaphore(%arg17 : memref<!tpu.dma_semaphore, #tpu.memory_space<semaphore_mem>>) src(%dma_wait3A_132 : memref<1000000x128xf32, #tpu.memory_space<hbm>>) dst(%dma_wait3A_127 : memref<128x128xf32, #tpu.memory_space<vmem>>)
      %dma_wait3A_133 = arith.constant 0 : i32
      %dma_wait3A_134 = arith.constant 0 : i32
      %dma_wait3A_135 = arith.constant 0 : i32
      %dma_wait3A_136 = tpu.memref_slice %arg12[%dma_wait3A_133, %dma_wait3A_134, %dma_wait3A_135] : memref<2x128x128xf32, #tpu.memory_space<vmem>> -> memref<1x128x128xf32, #tpu.memory_space<vmem>>
      %dma_wait3A_137 = tpu.memref_squeeze %dma_wait3A_136 : memref<1x128x128xf32, #tpu.memory_space<vmem>> -> memref<128x128xf32, #tpu.memory_space<vmem>>
      %dma_wait3A_138 = arith.constant 0 : i32
      %dma_wait3A_139 = tpu.memref_slice %arg10[%dma_wait3A_138] : memref<512xi32, #tpu.memory_space<vmem>> -> memref<128xi32, #tpu.memory_space<vmem>>
      %dma_wait3A_140 = arith.constant 0 : i32
      %dma_wait3A_141 = arith.constant 0 : i32
      %dma_wait3A_142 = tpu.memref_slice %arg5[%dma_wait3A_140, %dma_wait3A_141] : memref<1000000x128xf32, #tpu.memory_space<hbm>> -> memref<1000000x128xf32, #tpu.memory_space<hbm>>
      tpu.wait_indirect_dma semaphore(%arg19 : memref<!tpu.dma_semaphore, #tpu.memory_space<semaphore_mem>>) src(%dma_wait3A_142 : memref<1000000x128xf32, #tpu.memory_space<hbm>>) dst(%dma_wait3A_137 : memref<128x128xf32, #tpu.memory_space<vmem>>)
      %parallel_loop3A = arith.constant 0 : i32
      %parallel_loop3A_143 = arith.constant 128 : i32
      %parallel_loop3A_144 = arith.constant 1 : i32
      %parallel_loop3A_145 = arith.constant 0 : i32
      %parallel_loop3A_146 = arith.constant 0 : i32
      scf.for %parallel_loop3A_188 = %parallel_loop3A to %parallel_loop3A_143 step %parallel_loop3A_144  : i32 {
        %parallel_loop3A_189 = arith.constant 0 : i32
        %parallel_loop3A_190 = arith.constant 0 : i32
        %parallel_loop3A_191 = tpu.memref_slice %arg11[%parallel_loop3A_145, %parallel_loop3A_189, %parallel_loop3A_190] : memref<2x128x128xf32, #tpu.memory_space<vmem>> -> memref<1x128x128xf32, #tpu.memory_space<vmem>>
        %parallel_loop3A_192 = tpu.memref_squeeze %parallel_loop3A_191 : memref<1x128x128xf32, #tpu.memory_space<vmem>> -> memref<128x128xf32, #tpu.memory_space<vmem>>
        %parallel_loop3A_193 = arith.index_cast %parallel_loop3A_188 : i32 to index
        %parallel_loop3A_194 = arith.constant 0 : index
        %parallel_loop3A_195 = tpu.vector_load %parallel_loop3A_192[%parallel_loop3A_193, %parallel_loop3A_194] {strides = array<i32>} : memref<128x128xf32, #tpu.memory_space<vmem>>, vector<16xf32>,
        %parallel_loop3A_196 = arith.constant 0 : i32
        %parallel_loop3A_197 = arith.constant 0 : i32
        %parallel_loop3A_198 = tpu.memref_slice %arg12[%parallel_loop3A_146, %parallel_loop3A_196, %parallel_loop3A_197] : memref<2x128x128xf32, #tpu.memory_space<vmem>> -> memref<1x128x128xf32, #tpu.memory_space<vmem>>
        %parallel_loop3A_199 = tpu.memref_squeeze %parallel_loop3A_198 : memref<1x128x128xf32, #tpu.memory_space<vmem>> -> memref<128x128xf32, #tpu.memory_space<vmem>>
        %parallel_loop3A_200 = arith.index_cast %parallel_loop3A_188 : i32 to index
        %parallel_loop3A_201 = arith.constant 0 : index
        %parallel_loop3A_202 = tpu.vector_load %parallel_loop3A_199[%parallel_loop3A_200, %parallel_loop3A_201] {strides = array<i32>} : memref<128x128xf32, #tpu.memory_space<vmem>>, vector<16xf32>,
        %parallel_loop3A_203 = arith.mulf %parallel_loop3A_195, %parallel_loop3A_202 : vector<16xf32>
        %parallel_loop3A_204 = arith.mulf %parallel_loop3A_203, %get3A_93 : vector<16xf32>
        %parallel_loop3A_205 = arith.constant 0 : i32
        %parallel_loop3A_206 = arith.constant 0 : i32
        %parallel_loop3A_207 = tpu.memref_slice %arg11[%parallel_loop3A_145, %parallel_loop3A_205, %parallel_loop3A_206] : memref<2x128x128xf32, #tpu.memory_space<vmem>> -> memref<1x128x128xf32, #tpu.memory_space<vmem>>
        %parallel_loop3A_208 = tpu.memref_squeeze %parallel_loop3A_207 : memref<1x128x128xf32, #tpu.memory_space<vmem>> -> memref<128x128xf32, #tpu.memory_space<vmem>>
        %parallel_loop3A_209 = arith.index_cast %parallel_loop3A_188 : i32 to index
        %parallel_loop3A_210 = arith.constant 16 : index
        %parallel_loop3A_211 = tpu.vector_load %parallel_loop3A_208[%parallel_loop3A_209, %parallel_loop3A_210] {strides = array<i32>} : memref<128x128xf32, #tpu.memory_space<vmem>>, vector<16xf32>,
        %parallel_loop3A_212 = arith.constant 0 : i32
        %parallel_loop3A_213 = arith.constant 0 : i32
        %parallel_loop3A_214 = tpu.memref_slice %arg12[%parallel_loop3A_146, %parallel_loop3A_212, %parallel_loop3A_213] : memref<2x128x128xf32, #tpu.memory_space<vmem>> -> memref<1x128x128xf32, #tpu.memory_space<vmem>>
        %parallel_loop3A_215 = tpu.memref_squeeze %parallel_loop3A_214 : memref<1x128x128xf32, #tpu.memory_space<vmem>> -> memref<128x128xf32, #tpu.memory_space<vmem>>
        %parallel_loop3A_216 = arith.index_cast %parallel_loop3A_188 : i32 to index
        %parallel_loop3A_217 = arith.constant 16 : index
        %parallel_loop3A_218 = tpu.vector_load %parallel_loop3A_215[%parallel_loop3A_216, %parallel_loop3A_217] {strides = array<i32>} : memref<128x128xf32, #tpu.memory_space<vmem>>, vector<16xf32>,
        %parallel_loop3A_219 = arith.mulf %parallel_loop3A_211, %parallel_loop3A_218 : vector<16xf32>
        %parallel_loop3A_220 = arith.mulf %parallel_loop3A_219, %get3A_95 : vector<16xf32>
        %parallel_loop3A_221 = arith.addf %parallel_loop3A_204, %parallel_loop3A_220 : vector<16xf32>
        %parallel_loop3A_222 = arith.constant 0 : i32
        %parallel_loop3A_223 = arith.constant 0 : i32
        %parallel_loop3A_224 = tpu.memref_slice %arg11[%parallel_loop3A_145, %parallel_loop3A_222, %parallel_loop3A_223] : memref<2x128x128xf32, #tpu.memory_space<vmem>> -> memref<1x128x128xf32, #tpu.memory_space<vmem>>
        %parallel_loop3A_225 = tpu.memref_squeeze %parallel_loop3A_224 : memref<1x128x128xf32, #tpu.memory_space<vmem>> -> memref<128x128xf32, #tpu.memory_space<vmem>>
        %parallel_loop3A_226 = arith.index_cast %parallel_loop3A_188 : i32 to index
        %parallel_loop3A_227 = arith.constant 32 : index
        %parallel_loop3A_228 = tpu.vector_load %parallel_loop3A_225[%parallel_loop3A_226, %parallel_loop3A_227] {strides = array<i32>} : memref<128x128xf32, #tpu.memory_space<vmem>>, vector<16xf32>,
        %parallel_loop3A_229 = arith.constant 0 : i32
        %parallel_loop3A_230 = arith.constant 0 : i32
        %parallel_loop3A_231 = tpu.memref_slice %arg12[%parallel_loop3A_146, %parallel_loop3A_229, %parallel_loop3A_230] : memref<2x128x128xf32, #tpu.memory_space<vmem>> -> memref<1x128x128xf32, #tpu.memory_space<vmem>>
        %parallel_loop3A_232 = tpu.memref_squeeze %parallel_loop3A_231 : memref<1x128x128xf32, #tpu.memory_space<vmem>> -> memref<128x128xf32, #tpu.memory_space<vmem>>
        %parallel_loop3A_233 = arith.index_cast %parallel_loop3A_188 : i32 to index
        %parallel_loop3A_234 = arith.constant 32 : index
        %parallel_loop3A_235 = tpu.vector_load %parallel_loop3A_232[%parallel_loop3A_233, %parallel_loop3A_234] {strides = array<i32>} : memref<128x128xf32, #tpu.memory_space<vmem>>, vector<16xf32>,
        %parallel_loop3A_236 = arith.mulf %parallel_loop3A_228, %parallel_loop3A_235 : vector<16xf32>
        %parallel_loop3A_237 = arith.mulf %parallel_loop3A_236, %get3A_97 : vector<16xf32>
        %parallel_loop3A_238 = arith.addf %parallel_loop3A_221, %parallel_loop3A_237 : vector<16xf32>
        %parallel_loop3A_239 = arith.constant 0 : i32
        %parallel_loop3A_240 = arith.constant 0 : i32
        %parallel_loop3A_241 = tpu.memref_slice %arg11[%parallel_loop3A_145, %parallel_loop3A_239, %parallel_loop3A_240] : memref<2x128x128xf32, #tpu.memory_space<vmem>> -> memref<1x128x128xf32, #tpu.memory_space<vmem>>
        %parallel_loop3A_242 = tpu.memref_squeeze %parallel_loop3A_241 : memref<1x128x128xf32, #tpu.memory_space<vmem>> -> memref<128x128xf32, #tpu.memory_space<vmem>>
        %parallel_loop3A_243 = arith.index_cast %parallel_loop3A_188 : i32 to index
        %parallel_loop3A_244 = arith.constant 48 : index
        %parallel_loop3A_245 = tpu.vector_load %parallel_loop3A_242[%parallel_loop3A_243, %parallel_loop3A_244] {strides = array<i32>} : memref<128x128xf32, #tpu.memory_space<vmem>>, vector<16xf32>,
        %parallel_loop3A_246 = arith.constant 0 : i32
        %parallel_loop3A_247 = arith.constant 0 : i32
        %parallel_loop3A_248 = tpu.memref_slice %arg12[%parallel_loop3A_146, %parallel_loop3A_246, %parallel_loop3A_247] : memref<2x128x128xf32, #tpu.memory_space<vmem>> -> memref<1x128x128xf32, #tpu.memory_space<vmem>>
        %parallel_loop3A_249 = tpu.memref_squeeze %parallel_loop3A_248 : memref<1x128x128xf32, #tpu.memory_space<vmem>> -> memref<128x128xf32, #tpu.memory_space<vmem>>
        %parallel_loop3A_250 = arith.index_cast %parallel_loop3A_188 : i32 to index
        %parallel_loop3A_251 = arith.constant 48 : index
        %parallel_loop3A_252 = tpu.vector_load %parallel_loop3A_249[%parallel_loop3A_250, %parallel_loop3A_251] {strides = array<i32>} : memref<128x128xf32, #tpu.memory_space<vmem>>, vector<16xf32>,
        %parallel_loop3A_253 = arith.mulf %parallel_loop3A_245, %parallel_loop3A_252 : vector<16xf32>
        %parallel_loop3A_254 = arith.mulf %parallel_loop3A_253, %get3A_99 : vector<16xf32>
        %parallel_loop3A_255 = arith.addf %parallel_loop3A_238, %parallel_loop3A_254 : vector<16xf32>
        %parallel_loop3A_256 = arith.constant 0 : i32
        %parallel_loop3A_257 = arith.constant 0 : i32
        %parallel_loop3A_258 = tpu.memref_slice %arg11[%parallel_loop3A_145, %parallel_loop3A_256, %parallel_loop3A_257] : memref<2x128x128xf32, #tpu.memory_space<vmem>> -> memref<1x128x128xf32, #tpu.memory_space<vmem>>
        %parallel_loop3A_259 = tpu.memref_squeeze %parallel_loop3A_258 : memref<1x128x128xf32, #tpu.memory_space<vmem>> -> memref<128x128xf32, #tpu.memory_space<vmem>>
        %parallel_loop3A_260 = arith.index_cast %parallel_loop3A_188 : i32 to index
        %parallel_loop3A_261 = arith.constant 64 : index
        %parallel_loop3A_262 = tpu.vector_load %parallel_loop3A_259[%parallel_loop3A_260, %parallel_loop3A_261] {strides = array<i32>} : memref<128x128xf32, #tpu.memory_space<vmem>>, vector<16xf32>,
        %parallel_loop3A_263 = arith.constant 0 : i32
        %parallel_loop3A_264 = arith.constant 0 : i32
        %parallel_loop3A_265 = tpu.memref_slice %arg12[%parallel_loop3A_146, %parallel_loop3A_263, %parallel_loop3A_264] : memref<2x128x128xf32, #tpu.memory_space<vmem>> -> memref<1x128x128xf32, #tpu.memory_space<vmem>>
        %parallel_loop3A_266 = tpu.memref_squeeze %parallel_loop3A_265 : memref<1x128x128xf32, #tpu.memory_space<vmem>> -> memref<128x128xf32, #tpu.memory_space<vmem>>
        %parallel_loop3A_267 = arith.index_cast %parallel_loop3A_188 : i32 to index
        %parallel_loop3A_268 = arith.constant 64 : index
        %parallel_loop3A_269 = tpu.vector_load %parallel_loop3A_266[%parallel_loop3A_267, %parallel_loop3A_268] {strides = array<i32>} : memref<128x128xf32, #tpu.memory_space<vmem>>, vector<16xf32>,
        %parallel_loop3A_270 = arith.mulf %parallel_loop3A_262, %parallel_loop3A_269 : vector<16xf32>
        %parallel_loop3A_271 = arith.mulf %parallel_loop3A_270, %get3A_101 : vector<16xf32>
        %parallel_loop3A_272 = arith.addf %parallel_loop3A_255, %parallel_loop3A_271 : vector<16xf32>
        %parallel_loop3A_273 = arith.constant 0 : i32
        %parallel_loop3A_274 = arith.constant 0 : i32
        %parallel_loop3A_275 = tpu.memref_slice %arg11[%parallel_loop3A_145, %parallel_loop3A_273, %parallel_loop3A_274] : memref<2x128x128xf32, #tpu.memory_space<vmem>> -> memref<1x128x128xf32, #tpu.memory_space<vmem>>
        %parallel_loop3A_276 = tpu.memref_squeeze %parallel_loop3A_275 : memref<1x128x128xf32, #tpu.memory_space<vmem>> -> memref<128x128xf32, #tpu.memory_space<vmem>>
        %parallel_loop3A_277 = arith.index_cast %parallel_loop3A_188 : i32 to index
        %parallel_loop3A_278 = arith.constant 80 : index
        %parallel_loop3A_279 = tpu.vector_load %parallel_loop3A_276[%parallel_loop3A_277, %parallel_loop3A_278] {strides = array<i32>} : memref<128x128xf32, #tpu.memory_space<vmem>>, vector<16xf32>,
        %parallel_loop3A_280 = arith.constant 0 : i32
        %parallel_loop3A_281 = arith.constant 0 : i32
        %parallel_loop3A_282 = tpu.memref_slice %arg12[%parallel_loop3A_146, %parallel_loop3A_280, %parallel_loop3A_281] : memref<2x128x128xf32, #tpu.memory_space<vmem>> -> memref<1x128x128xf32, #tpu.memory_space<vmem>>
        %parallel_loop3A_283 = tpu.memref_squeeze %parallel_loop3A_282 : memref<1x128x128xf32, #tpu.memory_space<vmem>> -> memref<128x128xf32, #tpu.memory_space<vmem>>
        %parallel_loop3A_284 = arith.index_cast %parallel_loop3A_188 : i32 to index
        %parallel_loop3A_285 = arith.constant 80 : index
        %parallel_loop3A_286 = tpu.vector_load %parallel_loop3A_283[%parallel_loop3A_284, %parallel_loop3A_285] {strides = array<i32>} : memref<128x128xf32, #tpu.memory_space<vmem>>, vector<16xf32>,
        %parallel_loop3A_287 = arith.mulf %parallel_loop3A_279, %parallel_loop3A_286 : vector<16xf32>
        %parallel_loop3A_288 = arith.mulf %parallel_loop3A_287, %get3A_103 : vector<16xf32>
        %parallel_loop3A_289 = arith.addf %parallel_loop3A_272, %parallel_loop3A_288 : vector<16xf32>
        %parallel_loop3A_290 = arith.constant 0 : i32
        %parallel_loop3A_291 = arith.constant 0 : i32
        %parallel_loop3A_292 = tpu.memref_slice %arg11[%parallel_loop3A_145, %parallel_loop3A_290, %parallel_loop3A_291] : memref<2x128x128xf32, #tpu.memory_space<vmem>> -> memref<1x128x128xf32, #tpu.memory_space<vmem>>
        %parallel_loop3A_293 = tpu.memref_squeeze %parallel_loop3A_292 : memref<1x128x128xf32, #tpu.memory_space<vmem>> -> memref<128x128xf32, #tpu.memory_space<vmem>>
        %parallel_loop3A_294 = arith.index_cast %parallel_loop3A_188 : i32 to index
        %parallel_loop3A_295 = arith.constant 96 : index
        %parallel_loop3A_296 = tpu.vector_load %parallel_loop3A_293[%parallel_loop3A_294, %parallel_loop3A_295] {strides = array<i32>} : memref<128x128xf32, #tpu.memory_space<vmem>>, vector<16xf32>,
        %parallel_loop3A_297 = arith.constant 0 : i32
        %parallel_loop3A_298 = arith.constant 0 : i32
        %parallel_loop3A_299 = tpu.memref_slice %arg12[%parallel_loop3A_146, %parallel_loop3A_297, %parallel_loop3A_298] : memref<2x128x128xf32, #tpu.memory_space<vmem>> -> memref<1x128x128xf32, #tpu.memory_space<vmem>>
        %parallel_loop3A_300 = tpu.memref_squeeze %parallel_loop3A_299 : memref<1x128x128xf32, #tpu.memory_space<vmem>> -> memref<128x128xf32, #tpu.memory_space<vmem>>
        %parallel_loop3A_301 = arith.index_cast %parallel_loop3A_188 : i32 to index
        %parallel_loop3A_302 = arith.constant 96 : index
        %parallel_loop3A_303 = tpu.vector_load %parallel_loop3A_300[%parallel_loop3A_301, %parallel_loop3A_302] {strides = array<i32>} : memref<128x128xf32, #tpu.memory_space<vmem>>, vector<16xf32>,
        %parallel_loop3A_304 = arith.mulf %parallel_loop3A_296, %parallel_loop3A_303 : vector<16xf32>
        %parallel_loop3A_305 = arith.mulf %parallel_loop3A_304, %get3A_105 : vector<16xf32>
        %parallel_loop3A_306 = arith.addf %parallel_loop3A_289, %parallel_loop3A_305 : vector<16xf32>
        %parallel_loop3A_307 = arith.constant 0 : i32
        %parallel_loop3A_308 = arith.constant 0 : i32
        %parallel_loop3A_309 = tpu.memref_slice %arg11[%parallel_loop3A_145, %parallel_loop3A_307, %parallel_loop3A_308] : memref<2x128x128xf32, #tpu.memory_space<vmem>> -> memref<1x128x128xf32, #tpu.memory_space<vmem>>
        %parallel_loop3A_310 = tpu.memref_squeeze %parallel_loop3A_309 : memref<1x128x128xf32, #tpu.memory_space<vmem>> -> memref<128x128xf32, #tpu.memory_space<vmem>>
        %parallel_loop3A_311 = arith.index_cast %parallel_loop3A_188 : i32 to index
        %parallel_loop3A_312 = arith.constant 112 : index
        %parallel_loop3A_313 = tpu.vector_load %parallel_loop3A_310[%parallel_loop3A_311, %parallel_loop3A_312] {strides = array<i32>} : memref<128x128xf32, #tpu.memory_space<vmem>>, vector<16xf32>,
        %parallel_loop3A_314 = arith.constant 0 : i32
        %parallel_loop3A_315 = arith.constant 0 : i32
        %parallel_loop3A_316 = tpu.memref_slice %arg12[%parallel_loop3A_146, %parallel_loop3A_314, %parallel_loop3A_315] : memref<2x128x128xf32, #tpu.memory_space<vmem>> -> memref<1x128x128xf32, #tpu.memory_space<vmem>>
        %parallel_loop3A_317 = tpu.memref_squeeze %parallel_loop3A_316 : memref<1x128x128xf32, #tpu.memory_space<vmem>> -> memref<128x128xf32, #tpu.memory_space<vmem>>
        %parallel_loop3A_318 = arith.index_cast %parallel_loop3A_188 : i32 to index
        %parallel_loop3A_319 = arith.constant 112 : index
        %parallel_loop3A_320 = tpu.vector_load %parallel_loop3A_317[%parallel_loop3A_318, %parallel_loop3A_319] {strides = array<i32>} : memref<128x128xf32, #tpu.memory_space<vmem>>, vector<16xf32>,
        %parallel_loop3A_321 = arith.mulf %parallel_loop3A_313, %parallel_loop3A_320 : vector<16xf32>
        %parallel_loop3A_322 = arith.mulf %parallel_loop3A_321, %get3A_107 : vector<16xf32>
        %parallel_loop3A_323 = arith.addf %parallel_loop3A_306, %parallel_loop3A_322 : vector<16xf32>
        %parallel_loop3A_324 = arith.constant 16 : i32
        %parallel_loop3A_325 = arith.muli %parallel_loop3A_188, %parallel_loop3A_324 : i32
        %parallel_loop3A_326 = arith.index_cast %parallel_loop3A_325 : i32 to index
        %parallel_loop3A_327 = tpu.vector_load %arg15[%parallel_loop3A_326] {strides = array<i32>} : memref<2048xf32, #tpu.memory_space<vmem>>, vector<16xf32>,
        tpu.vector_store %arg15[%parallel_loop3A_326], %parallel_loop3A_323 {strides = array<i32>} : memref<2048xf32, #tpu.memory_space<vmem>>, vector<16xf32>,
      } {sc.loop_unroll_factor = 2 : i64, sc.parallel_access}
      %parallel_loop3A_147 = arith.constant 0 : i32
      %parallel_loop3A_148 = arith.constant 8 : i32
      %parallel_loop3A_149 = arith.constant 1 : i32
      scf.for %parallel_loop3A_188 = %parallel_loop3A_147 to %parallel_loop3A_148 step %parallel_loop3A_149  : i32 {
        %parallel_loop3A_189 = arith.constant 256 : i32
        %parallel_loop3A_190 = arith.muli %parallel_loop3A_188, %parallel_loop3A_189 : i32
        %parallel_loop3A_191 = vector.broadcast %parallel_loop3A_190 : i32 to vector<16xi32>
        %parallel_loop3A_192 = arith.addi %mul3A_110, %parallel_loop3A_191 : vector<16xi32>
        %parallel_loop3A_193 = tpu.vector_load_idx %arg15[%parallel_loop3A_192] : memref<2048xf32, #tpu.memory_space<vmem>>[vector<16xi32>], vector<16xf32>,
        %parallel_loop3A_194 = arith.constant 1 : i32
        %parallel_loop3A_195 = arith.addi %parallel_loop3A_190, %parallel_loop3A_194 : i32
        %parallel_loop3A_196 = vector.broadcast %parallel_loop3A_195 : i32 to vector<16xi32>
        %parallel_loop3A_197 = arith.addi %mul3A_110, %parallel_loop3A_196 : vector<16xi32>
        %parallel_loop3A_198 = tpu.vector_load_idx %arg15[%parallel_loop3A_197] : memref<2048xf32, #tpu.memory_space<vmem>>[vector<16xi32>], vector<16xf32>,
        %parallel_loop3A_199 = arith.addf %parallel_loop3A_193, %parallel_loop3A_198 : vector<16xf32>
        %parallel_loop3A_200 = arith.constant 2 : i32
        %parallel_loop3A_201 = arith.addi %parallel_loop3A_190, %parallel_loop3A_200 : i32
        %parallel_loop3A_202 = vector.broadcast %parallel_loop3A_201 : i32 to vector<16xi32>
        %parallel_loop3A_203 = arith.addi %mul3A_110, %parallel_loop3A_202 : vector<16xi32>
        %parallel_loop3A_204 = tpu.vector_load_idx %arg15[%parallel_loop3A_203] : memref<2048xf32, #tpu.memory_space<vmem>>[vector<16xi32>], vector<16xf32>,
        %parallel_loop3A_205 = arith.addf %parallel_loop3A_199, %parallel_loop3A_204 : vector<16xf32>
        %parallel_loop3A_206 = arith.constant 3 : i32
        %parallel_loop3A_207 = arith.addi %parallel_loop3A_190, %parallel_loop3A_206 : i32
        %parallel_loop3A_208 = vector.broadcast %parallel_loop3A_207 : i32 to vector<16xi32>
        %parallel_loop3A_209 = arith.addi %mul3A_110, %parallel_loop3A_208 : vector<16xi32>
        %parallel_loop3A_210 = tpu.vector_load_idx %arg15[%parallel_loop3A_209] : memref<2048xf32, #tpu.memory_space<vmem>>[vector<16xi32>], vector<16xf32>,
        %parallel_loop3A_211 = arith.addf %parallel_loop3A_205, %parallel_loop3A_210 : vector<16xf32>
        %parallel_loop3A_212 = arith.constant 4 : i32
        %parallel_loop3A_213 = arith.addi %parallel_loop3A_190, %parallel_loop3A_212 : i32
        %parallel_loop3A_214 = vector.broadcast %parallel_loop3A_213 : i32 to vector<16xi32>
        %parallel_loop3A_215 = arith.addi %mul3A_110, %parallel_loop3A_214 : vector<16xi32>
        %parallel_loop3A_216 = tpu.vector_load_idx %arg15[%parallel_loop3A_215] : memref<2048xf32, #tpu.memory_space<vmem>>[vector<16xi32>], vector<16xf32>,
        %parallel_loop3A_217 = arith.addf %parallel_loop3A_211, %parallel_loop3A_216 : vector<16xf32>
        %parallel_loop3A_218 = arith.constant 5 : i32
        %parallel_loop3A_219 = arith.addi %parallel_loop3A_190, %parallel_loop3A_218 : i32
        %parallel_loop3A_220 = vector.broadcast %parallel_loop3A_219 : i32 to vector<16xi32>
        %parallel_loop3A_221 = arith.addi %mul3A_110, %parallel_loop3A_220 : vector<16xi32>
        %parallel_loop3A_222 = tpu.vector_load_idx %arg15[%parallel_loop3A_221] : memref<2048xf32, #tpu.memory_space<vmem>>[vector<16xi32>], vector<16xf32>,
        %parallel_loop3A_223 = arith.addf %parallel_loop3A_217, %parallel_loop3A_222 : vector<16xf32>
        %parallel_loop3A_224 = arith.constant 6 : i32
        %parallel_loop3A_225 = arith.addi %parallel_loop3A_190, %parallel_loop3A_224 : i32
        %parallel_loop3A_226 = vector.broadcast %parallel_loop3A_225 : i32 to vector<16xi32>
        %parallel_loop3A_227 = arith.addi %mul3A_110, %parallel_loop3A_226 : vector<16xi32>
        %parallel_loop3A_228 = tpu.vector_load_idx %arg15[%parallel_loop3A_227] : memref<2048xf32, #tpu.memory_space<vmem>>[vector<16xi32>], vector<16xf32>,
        %parallel_loop3A_229 = arith.addf %parallel_loop3A_223, %parallel_loop3A_228 : vector<16xf32>
        %parallel_loop3A_230 = arith.constant 7 : i32
        %parallel_loop3A_231 = arith.addi %parallel_loop3A_190, %parallel_loop3A_230 : i32
        %parallel_loop3A_232 = vector.broadcast %parallel_loop3A_231 : i32 to vector<16xi32>
        %parallel_loop3A_233 = arith.addi %mul3A_110, %parallel_loop3A_232 : vector<16xi32>
        %parallel_loop3A_234 = tpu.vector_load_idx %arg15[%parallel_loop3A_233] : memref<2048xf32, #tpu.memory_space<vmem>>[vector<16xi32>], vector<16xf32>,
        %parallel_loop3A_235 = arith.addf %parallel_loop3A_229, %parallel_loop3A_234 : vector<16xf32>
        %parallel_loop3A_236 = arith.constant 8 : i32
        %parallel_loop3A_237 = arith.addi %parallel_loop3A_190, %parallel_loop3A_236 : i32
        %parallel_loop3A_238 = vector.broadcast %parallel_loop3A_237 : i32 to vector<16xi32>
        %parallel_loop3A_239 = arith.addi %mul3A_110, %parallel_loop3A_238 : vector<16xi32>
        %parallel_loop3A_240 = tpu.vector_load_idx %arg15[%parallel_loop3A_239] : memref<2048xf32, #tpu.memory_space<vmem>>[vector<16xi32>], vector<16xf32>,
        %parallel_loop3A_241 = arith.addf %parallel_loop3A_235, %parallel_loop3A_240 : vector<16xf32>
        %parallel_loop3A_242 = arith.constant 9 : i32
        %parallel_loop3A_243 = arith.addi %parallel_loop3A_190, %parallel_loop3A_242 : i32
        %parallel_loop3A_244 = vector.broadcast %parallel_loop3A_243 : i32 to vector<16xi32>
        %parallel_loop3A_245 = arith.addi %mul3A_110, %parallel_loop3A_244 : vector<16xi32>
        %parallel_loop3A_246 = tpu.vector_load_idx %arg15[%parallel_loop3A_245] : memref<2048xf32, #tpu.memory_space<vmem>>[vector<16xi32>], vector<16xf32>,
        %parallel_loop3A_247 = arith.addf %parallel_loop3A_241, %parallel_loop3A_246 : vector<16xf32>
        %parallel_loop3A_248 = arith.constant 10 : i32
        %parallel_loop3A_249 = arith.addi %parallel_loop3A_190, %parallel_loop3A_248 : i32
        %parallel_loop3A_250 = vector.broadcast %parallel_loop3A_249 : i32 to vector<16xi32>
        %parallel_loop3A_251 = arith.addi %mul3A_110, %parallel_loop3A_250 : vector<16xi32>
        %parallel_loop3A_252 = tpu.vector_load_idx %arg15[%parallel_loop3A_251] : memref<2048xf32, #tpu.memory_space<vmem>>[vector<16xi32>], vector<16xf32>,
        %parallel_loop3A_253 = arith.addf %parallel_loop3A_247, %parallel_loop3A_252 : vector<16xf32>
        %parallel_loop3A_254 = arith.constant 11 : i32
        %parallel_loop3A_255 = arith.addi %parallel_loop3A_190, %parallel_loop3A_254 : i32
        %parallel_loop3A_256 = vector.broadcast %parallel_loop3A_255 : i32 to vector<16xi32>
        %parallel_loop3A_257 = arith.addi %mul3A_110, %parallel_loop3A_256 : vector<16xi32>
        %parallel_loop3A_258 = tpu.vector_load_idx %arg15[%parallel_loop3A_257] : memref<2048xf32, #tpu.memory_space<vmem>>[vector<16xi32>], vector<16xf32>,
        %parallel_loop3A_259 = arith.addf %parallel_loop3A_253, %parallel_loop3A_258 : vector<16xf32>
        %parallel_loop3A_260 = arith.constant 12 : i32
        %parallel_loop3A_261 = arith.addi %parallel_loop3A_190, %parallel_loop3A_260 : i32
        %parallel_loop3A_262 = vector.broadcast %parallel_loop3A_261 : i32 to vector<16xi32>
        %parallel_loop3A_263 = arith.addi %mul3A_110, %parallel_loop3A_262 : vector<16xi32>
        %parallel_loop3A_264 = tpu.vector_load_idx %arg15[%parallel_loop3A_263] : memref<2048xf32, #tpu.memory_space<vmem>>[vector<16xi32>], vector<16xf32>,
        %parallel_loop3A_265 = arith.addf %parallel_loop3A_259, %parallel_loop3A_264 : vector<16xf32>
        %parallel_loop3A_266 = arith.constant 13 : i32
        %parallel_loop3A_267 = arith.addi %parallel_loop3A_190, %parallel_loop3A_266 : i32
        %parallel_loop3A_268 = vector.broadcast %parallel_loop3A_267 : i32 to vector<16xi32>
        %parallel_loop3A_269 = arith.addi %mul3A_110, %parallel_loop3A_268 : vector<16xi32>
        %parallel_loop3A_270 = tpu.vector_load_idx %arg15[%parallel_loop3A_269] : memref<2048xf32, #tpu.memory_space<vmem>>[vector<16xi32>], vector<16xf32>,
        %parallel_loop3A_271 = arith.addf %parallel_loop3A_265, %parallel_loop3A_270 : vector<16xf32>
        %parallel_loop3A_272 = arith.constant 14 : i32
        %parallel_loop3A_273 = arith.addi %parallel_loop3A_190, %parallel_loop3A_272 : i32
        %parallel_loop3A_274 = vector.broadcast %parallel_loop3A_273 : i32 to vector<16xi32>
        %parallel_loop3A_275 = arith.addi %mul3A_110, %parallel_loop3A_274 : vector<16xi32>
        %parallel_loop3A_276 = tpu.vector_load_idx %arg15[%parallel_loop3A_275] : memref<2048xf32, #tpu.memory_space<vmem>>[vector<16xi32>], vector<16xf32>,
        %parallel_loop3A_277 = arith.addf %parallel_loop3A_271, %parallel_loop3A_276 : vector<16xf32>
        %parallel_loop3A_278 = arith.constant 15 : i32
        %parallel_loop3A_279 = arith.addi %parallel_loop3A_190, %parallel_loop3A_278 : i32
        %parallel_loop3A_280 = vector.broadcast %parallel_loop3A_279 : i32 to vector<16xi32>
        %parallel_loop3A_281 = arith.addi %mul3A_110, %parallel_loop3A_280 : vector<16xi32>
        %parallel_loop3A_282 = tpu.vector_load_idx %arg15[%parallel_loop3A_281] : memref<2048xf32, #tpu.memory_space<vmem>>[vector<16xi32>], vector<16xf32>,
        %parallel_loop3A_283 = arith.addf %parallel_loop3A_277, %parallel_loop3A_282 : vector<16xf32>
        %parallel_loop3A_284 = arith.addf %parallel_loop3A_283, %get3A_112 : vector<16xf32>
        %parallel_loop3A_285 = arith.constant 128 : i32
        %parallel_loop3A_286 = arith.muli %mul3A_122, %parallel_loop3A_285 : i32
        %parallel_loop3A_287 = arith.constant 16 : i32
        %parallel_loop3A_288 = arith.muli %parallel_loop3A_188, %parallel_loop3A_287 : i32
        %parallel_loop3A_289 = arith.addi %parallel_loop3A_286, %parallel_loop3A_288 : i32
        %parallel_loop3A_290 = arith.index_cast %parallel_loop3A_289 : i32 to index
        %parallel_loop3A_291 = tpu.vector_load %arg16[%parallel_loop3A_290] {strides = array<i32>} : memref<512xf32, #tpu.memory_space<vmem>>, vector<16xf32>,
        tpu.vector_store %arg16[%parallel_loop3A_290], %parallel_loop3A_284 {strides = array<i32>} : memref<512xf32, #tpu.memory_space<vmem>>, vector<16xf32>,
      } {sc.loop_unroll_factor = 1 : i64, sc.parallel_access}
      %lt3A = arith.constant 1 : i32
      %lt3A_150 = arith.cmpi slt, %scan3A_119, %lt3A : i32
      %convert_element_type3A = arith.extui %lt3A_150 : i1 to i32
      %cond3A = arith.constant 0 : i32
      %cond3A_151 = arith.cmpi ne, %convert_element_type3A, %cond3A : i32
      scf.if %cond3A_151 {
        %add3A_188 = arith.constant 2 : i32
        %add3A_189 = arith.addi %mul3A_122, %add3A_188 : i32
        %mul3A_190 = arith.constant 128 : i32
        %mul3A_191 = arith.muli %add3A_189, %mul3A_190 : i32
        %dma_start3A_192 = arith.constant 0 : i32
        %dma_start3A_193 = arith.constant 0 : i32
        %dma_start3A_194 = arith.constant 0 : i32
        %dma_start3A_195 = tpu.memref_slice %arg11[%dma_start3A_192, %dma_start3A_193, %dma_start3A_194] : memref<2x128x128xf32, #tpu.memory_space<vmem>> -> memref<1x128x128xf32, #tpu.memory_space<vmem>>
        %dma_start3A_196 = tpu.memref_squeeze %dma_start3A_195 : memref<1x128x128xf32, #tpu.memory_space<vmem>> -> memref<128x128xf32, #tpu.memory_space<vmem>>
        %dma_start3A_197 = tpu.memref_slice %arg9[%mul3A_191] : memref<512xi32, #tpu.memory_space<vmem>> -> memref<128xi32, #tpu.memory_space<vmem>>
        %dma_start3A_198 = arith.constant 0 : i32
        %dma_start3A_199 = arith.constant 0 : i32
        %dma_start3A_200 = tpu.memref_slice %arg4[%dma_start3A_198, %dma_start3A_199] : memref<1000000x128xf32, #tpu.memory_space<hbm>> -> memref<1000000x128xf32, #tpu.memory_space<hbm>>
        tpu.enqueue_indirect_dma source(%dma_start3A_200 : memref<1000000x128xf32, #tpu.memory_space<hbm>>) target(%dma_start3A_196 : memref<128x128xf32, #tpu.memory_space<vmem>>) offsets(%dma_start3A_197 : memref<128xi32, #tpu.memory_space<vmem>>) semaphore(%arg17 : memref<!tpu.dma_semaphore, #tpu.memory_space<semaphore_mem>>)
        %mul3A_201 = arith.constant 128 : i32
        %mul3A_202 = arith.muli %add3A_189, %mul3A_201 : i32
        %dma_start3A_203 = arith.constant 0 : i32
        %dma_start3A_204 = arith.constant 0 : i32
        %dma_start3A_205 = arith.constant 0 : i32
        %dma_start3A_206 = tpu.memref_slice %arg12[%dma_start3A_203, %dma_start3A_204, %dma_start3A_205] : memref<2x128x128xf32, #tpu.memory_space<vmem>> -> memref<1x128x128xf32, #tpu.memory_space<vmem>>
        %dma_start3A_207 = tpu.memref_squeeze %dma_start3A_206 : memref<1x128x128xf32, #tpu.memory_space<vmem>> -> memref<128x128xf32, #tpu.memory_space<vmem>>
        %dma_start3A_208 = tpu.memref_slice %arg10[%mul3A_202] : memref<512xi32, #tpu.memory_space<vmem>> -> memref<128xi32, #tpu.memory_space<vmem>>
        %dma_start3A_209 = arith.constant 0 : i32
        %dma_start3A_210 = arith.constant 0 : i32
        %dma_start3A_211 = tpu.memref_slice %arg5[%dma_start3A_209, %dma_start3A_210] : memref<1000000x128xf32, #tpu.memory_space<hbm>> -> memref<1000000x128xf32, #tpu.memory_space<hbm>>
        tpu.enqueue_indirect_dma source(%dma_start3A_211 : memref<1000000x128xf32, #tpu.memory_space<hbm>>) target(%dma_start3A_207 : memref<128x128xf32, #tpu.memory_space<vmem>>) offsets(%dma_start3A_208 : memref<128xi32, #tpu.memory_space<vmem>>) semaphore(%arg19 : memref<!tpu.dma_semaphore, #tpu.memory_space<semaphore_mem>>)
      } else {
      }
      %dma_wait3A_152 = arith.constant 1 : i32
      %dma_wait3A_153 = arith.constant 0 : i32
      %dma_wait3A_154 = arith.constant 0 : i32
      %dma_wait3A_155 = tpu.memref_slice %arg11[%dma_wait3A_152, %dma_wait3A_153, %dma_wait3A_154] : memref<2x128x128xf32, #tpu.memory_space<vmem>> -> memref<1x128x128xf32, #tpu.memory_space<vmem>>
      %dma_wait3A_156 = tpu.memref_squeeze %dma_wait3A_155 : memref<1x128x128xf32, #tpu.memory_space<vmem>> -> memref<128x128xf32, #tpu.memory_space<vmem>>
      %dma_wait3A_157 = arith.constant 0 : i32
      %dma_wait3A_158 = tpu.memref_slice %arg9[%dma_wait3A_157] : memref<512xi32, #tpu.memory_space<vmem>> -> memref<128xi32, #tpu.memory_space<vmem>>
      %dma_wait3A_159 = arith.constant 0 : i32
      %dma_wait3A_160 = arith.constant 0 : i32
      %dma_wait3A_161 = tpu.memref_slice %arg4[%dma_wait3A_159, %dma_wait3A_160] : memref<1000000x128xf32, #tpu.memory_space<hbm>> -> memref<1000000x128xf32, #tpu.memory_space<hbm>>
      tpu.wait_indirect_dma semaphore(%arg18 : memref<!tpu.dma_semaphore, #tpu.memory_space<semaphore_mem>>) src(%dma_wait3A_161 : memref<1000000x128xf32, #tpu.memory_space<hbm>>) dst(%dma_wait3A_156 : memref<128x128xf32, #tpu.memory_space<vmem>>)
      %dma_wait3A_162 = arith.constant 1 : i32
      %dma_wait3A_163 = arith.constant 0 : i32
      %dma_wait3A_164 = arith.constant 0 : i32
      %dma_wait3A_165 = tpu.memref_slice %arg12[%dma_wait3A_162, %dma_wait3A_163, %dma_wait3A_164] : memref<2x128x128xf32, #tpu.memory_space<vmem>> -> memref<1x128x128xf32, #tpu.memory_space<vmem>>
      %dma_wait3A_166 = tpu.memref_squeeze %dma_wait3A_165 : memref<1x128x128xf32, #tpu.memory_space<vmem>> -> memref<128x128xf32, #tpu.memory_space<vmem>>
      %dma_wait3A_167 = arith.constant 0 : i32
      %dma_wait3A_168 = tpu.memref_slice %arg10[%dma_wait3A_167] : memref<512xi32, #tpu.memory_space<vmem>> -> memref<128xi32, #tpu.memory_space<vmem>>
      %dma_wait3A_169 = arith.constant 0 : i32
      %dma_wait3A_170 = arith.constant 0 : i32
      %dma_wait3A_171 = tpu.memref_slice %arg5[%dma_wait3A_169, %dma_wait3A_170] : memref<1000000x128xf32, #tpu.memory_space<hbm>> -> memref<1000000x128xf32, #tpu.memory_space<hbm>>
      tpu.wait_indirect_dma semaphore(%arg20 : memref<!tpu.dma_semaphore, #tpu.memory_space<semaphore_mem>>) src(%dma_wait3A_171 : memref<1000000x128xf32, #tpu.memory_space<hbm>>) dst(%dma_wait3A_166 : memref<128x128xf32, #tpu.memory_space<vmem>>)
      %add3A_172 = arith.constant 1 : i32
      %add3A_173 = arith.addi %mul3A_122, %add3A_172 : i32
      %parallel_loop3A_174 = arith.constant 0 : i32
      %parallel_loop3A_175 = arith.constant 128 : i32
      %parallel_loop3A_176 = arith.constant 1 : i32
      %parallel_loop3A_177 = arith.constant 1 : i32
      %parallel_loop3A_178 = arith.constant 1 : i32
      scf.for %parallel_loop3A_188 = %parallel_loop3A_174 to %parallel_loop3A_175 step %parallel_loop3A_176  : i32 {
        %parallel_loop3A_189 = arith.constant 0 : i32
        %parallel_loop3A_190 = arith.constant 0 : i32
        %parallel_loop3A_191 = tpu.memref_slice %arg11[%parallel_loop3A_177, %parallel_loop3A_189, %parallel_loop3A_190] : memref<2x128x128xf32, #tpu.memory_space<vmem>> -> memref<1x128x128xf32, #tpu.memory_space<vmem>>
        %parallel_loop3A_192 = tpu.memref_squeeze %parallel_loop3A_191 : memref<1x128x128xf32, #tpu.memory_space<vmem>> -> memref<128x128xf32, #tpu.memory_space<vmem>>
        %parallel_loop3A_193 = arith.index_cast %parallel_loop3A_188 : i32 to index
        %parallel_loop3A_194 = arith.constant 0 : index
        %parallel_loop3A_195 = tpu.vector_load %parallel_loop3A_192[%parallel_loop3A_193, %parallel_loop3A_194] {strides = array<i32>} : memref<128x128xf32, #tpu.memory_space<vmem>>, vector<16xf32>,
        %parallel_loop3A_196 = arith.constant 0 : i32
        %parallel_loop3A_197 = arith.constant 0 : i32
        %parallel_loop3A_198 = tpu.memref_slice %arg12[%parallel_loop3A_178, %parallel_loop3A_196, %parallel_loop3A_197] : memref<2x128x128xf32, #tpu.memory_space<vmem>> -> memref<1x128x128xf32, #tpu.memory_space<vmem>>
        %parallel_loop3A_199 = tpu.memref_squeeze %parallel_loop3A_198 : memref<1x128x128xf32, #tpu.memory_space<vmem>> -> memref<128x128xf32, #tpu.memory_space<vmem>>
        %parallel_loop3A_200 = arith.index_cast %parallel_loop3A_188 : i32 to index
        %parallel_loop3A_201 = arith.constant 0 : index
        %parallel_loop3A_202 = tpu.vector_load %parallel_loop3A_199[%parallel_loop3A_200, %parallel_loop3A_201] {strides = array<i32>} : memref<128x128xf32, #tpu.memory_space<vmem>>, vector<16xf32>,
        %parallel_loop3A_203 = arith.mulf %parallel_loop3A_195, %parallel_loop3A_202 : vector<16xf32>
        %parallel_loop3A_204 = arith.mulf %parallel_loop3A_203, %get3A_93 : vector<16xf32>
        %parallel_loop3A_205 = arith.constant 0 : i32
        %parallel_loop3A_206 = arith.constant 0 : i32
        %parallel_loop3A_207 = tpu.memref_slice %arg11[%parallel_loop3A_177, %parallel_loop3A_205, %parallel_loop3A_206] : memref<2x128x128xf32, #tpu.memory_space<vmem>> -> memref<1x128x128xf32, #tpu.memory_space<vmem>>
        %parallel_loop3A_208 = tpu.memref_squeeze %parallel_loop3A_207 : memref<1x128x128xf32, #tpu.memory_space<vmem>> -> memref<128x128xf32, #tpu.memory_space<vmem>>
        %parallel_loop3A_209 = arith.index_cast %parallel_loop3A_188 : i32 to index
        %parallel_loop3A_210 = arith.constant 16 : index
        %parallel_loop3A_211 = tpu.vector_load %parallel_loop3A_208[%parallel_loop3A_209, %parallel_loop3A_210] {strides = array<i32>} : memref<128x128xf32, #tpu.memory_space<vmem>>, vector<16xf32>,
        %parallel_loop3A_212 = arith.constant 0 : i32
        %parallel_loop3A_213 = arith.constant 0 : i32
        %parallel_loop3A_214 = tpu.memref_slice %arg12[%parallel_loop3A_178, %parallel_loop3A_212, %parallel_loop3A_213] : memref<2x128x128xf32, #tpu.memory_space<vmem>> -> memref<1x128x128xf32, #tpu.memory_space<vmem>>
        %parallel_loop3A_215 = tpu.memref_squeeze %parallel_loop3A_214 : memref<1x128x128xf32, #tpu.memory_space<vmem>> -> memref<128x128xf32, #tpu.memory_space<vmem>>
        %parallel_loop3A_216 = arith.index_cast %parallel_loop3A_188 : i32 to index
        %parallel_loop3A_217 = arith.constant 16 : index
        %parallel_loop3A_218 = tpu.vector_load %parallel_loop3A_215[%parallel_loop3A_216, %parallel_loop3A_217] {strides = array<i32>} : memref<128x128xf32, #tpu.memory_space<vmem>>, vector<16xf32>,
        %parallel_loop3A_219 = arith.mulf %parallel_loop3A_211, %parallel_loop3A_218 : vector<16xf32>
        %parallel_loop3A_220 = arith.mulf %parallel_loop3A_219, %get3A_95 : vector<16xf32>
        %parallel_loop3A_221 = arith.addf %parallel_loop3A_204, %parallel_loop3A_220 : vector<16xf32>
        %parallel_loop3A_222 = arith.constant 0 : i32
        %parallel_loop3A_223 = arith.constant 0 : i32
        %parallel_loop3A_224 = tpu.memref_slice %arg11[%parallel_loop3A_177, %parallel_loop3A_222, %parallel_loop3A_223] : memref<2x128x128xf32, #tpu.memory_space<vmem>> -> memref<1x128x128xf32, #tpu.memory_space<vmem>>
        %parallel_loop3A_225 = tpu.memref_squeeze %parallel_loop3A_224 : memref<1x128x128xf32, #tpu.memory_space<vmem>> -> memref<128x128xf32, #tpu.memory_space<vmem>>
        %parallel_loop3A_226 = arith.index_cast %parallel_loop3A_188 : i32 to index
        %parallel_loop3A_227 = arith.constant 32 : index
        %parallel_loop3A_228 = tpu.vector_load %parallel_loop3A_225[%parallel_loop3A_226, %parallel_loop3A_227] {strides = array<i32>} : memref<128x128xf32, #tpu.memory_space<vmem>>, vector<16xf32>,
        %parallel_loop3A_229 = arith.constant 0 : i32
        %parallel_loop3A_230 = arith.constant 0 : i32
        %parallel_loop3A_231 = tpu.memref_slice %arg12[%parallel_loop3A_178, %parallel_loop3A_229, %parallel_loop3A_230] : memref<2x128x128xf32, #tpu.memory_space<vmem>> -> memref<1x128x128xf32, #tpu.memory_space<vmem>>
        %parallel_loop3A_232 = tpu.memref_squeeze %parallel_loop3A_231 : memref<1x128x128xf32, #tpu.memory_space<vmem>> -> memref<128x128xf32, #tpu.memory_space<vmem>>
        %parallel_loop3A_233 = arith.index_cast %parallel_loop3A_188 : i32 to index
        %parallel_loop3A_234 = arith.constant 32 : index
        %parallel_loop3A_235 = tpu.vector_load %parallel_loop3A_232[%parallel_loop3A_233, %parallel_loop3A_234] {strides = array<i32>} : memref<128x128xf32, #tpu.memory_space<vmem>>, vector<16xf32>,
        %parallel_loop3A_236 = arith.mulf %parallel_loop3A_228, %parallel_loop3A_235 : vector<16xf32>
        %parallel_loop3A_237 = arith.mulf %parallel_loop3A_236, %get3A_97 : vector<16xf32>
        %parallel_loop3A_238 = arith.addf %parallel_loop3A_221, %parallel_loop3A_237 : vector<16xf32>
        %parallel_loop3A_239 = arith.constant 0 : i32
        %parallel_loop3A_240 = arith.constant 0 : i32
        %parallel_loop3A_241 = tpu.memref_slice %arg11[%parallel_loop3A_177, %parallel_loop3A_239, %parallel_loop3A_240] : memref<2x128x128xf32, #tpu.memory_space<vmem>> -> memref<1x128x128xf32, #tpu.memory_space<vmem>>
        %parallel_loop3A_242 = tpu.memref_squeeze %parallel_loop3A_241 : memref<1x128x128xf32, #tpu.memory_space<vmem>> -> memref<128x128xf32, #tpu.memory_space<vmem>>
        %parallel_loop3A_243 = arith.index_cast %parallel_loop3A_188 : i32 to index
        %parallel_loop3A_244 = arith.constant 48 : index
        %parallel_loop3A_245 = tpu.vector_load %parallel_loop3A_242[%parallel_loop3A_243, %parallel_loop3A_244] {strides = array<i32>} : memref<128x128xf32, #tpu.memory_space<vmem>>, vector<16xf32>,
        %parallel_loop3A_246 = arith.constant 0 : i32
        %parallel_loop3A_247 = arith.constant 0 : i32
        %parallel_loop3A_248 = tpu.memref_slice %arg12[%parallel_loop3A_178, %parallel_loop3A_246, %parallel_loop3A_247] : memref<2x128x128xf32, #tpu.memory_space<vmem>> -> memref<1x128x128xf32, #tpu.memory_space<vmem>>
        %parallel_loop3A_249 = tpu.memref_squeeze %parallel_loop3A_248 : memref<1x128x128xf32, #tpu.memory_space<vmem>> -> memref<128x128xf32, #tpu.memory_space<vmem>>
        %parallel_loop3A_250 = arith.index_cast %parallel_loop3A_188 : i32 to index
        %parallel_loop3A_251 = arith.constant 48 : index
        %parallel_loop3A_252 = tpu.vector_load %parallel_loop3A_249[%parallel_loop3A_250, %parallel_loop3A_251] {strides = array<i32>} : memref<128x128xf32, #tpu.memory_space<vmem>>, vector<16xf32>,
        %parallel_loop3A_253 = arith.mulf %parallel_loop3A_245, %parallel_loop3A_252 : vector<16xf32>
        %parallel_loop3A_254 = arith.mulf %parallel_loop3A_253, %get3A_99 : vector<16xf32>
        %parallel_loop3A_255 = arith.addf %parallel_loop3A_238, %parallel_loop3A_254 : vector<16xf32>
        %parallel_loop3A_256 = arith.constant 0 : i32
        %parallel_loop3A_257 = arith.constant 0 : i32
        %parallel_loop3A_258 = tpu.memref_slice %arg11[%parallel_loop3A_177, %parallel_loop3A_256, %parallel_loop3A_257] : memref<2x128x128xf32, #tpu.memory_space<vmem>> -> memref<1x128x128xf32, #tpu.memory_space<vmem>>
        %parallel_loop3A_259 = tpu.memref_squeeze %parallel_loop3A_258 : memref<1x128x128xf32, #tpu.memory_space<vmem>> -> memref<128x128xf32, #tpu.memory_space<vmem>>
        %parallel_loop3A_260 = arith.index_cast %parallel_loop3A_188 : i32 to index
        %parallel_loop3A_261 = arith.constant 64 : index
        %parallel_loop3A_262 = tpu.vector_load %parallel_loop3A_259[%parallel_loop3A_260, %parallel_loop3A_261] {strides = array<i32>} : memref<128x128xf32, #tpu.memory_space<vmem>>, vector<16xf32>,
        %parallel_loop3A_263 = arith.constant 0 : i32
        %parallel_loop3A_264 = arith.constant 0 : i32
        %parallel_loop3A_265 = tpu.memref_slice %arg12[%parallel_loop3A_178, %parallel_loop3A_263, %parallel_loop3A_264] : memref<2x128x128xf32, #tpu.memory_space<vmem>> -> memref<1x128x128xf32, #tpu.memory_space<vmem>>
        %parallel_loop3A_266 = tpu.memref_squeeze %parallel_loop3A_265 : memref<1x128x128xf32, #tpu.memory_space<vmem>> -> memref<128x128xf32, #tpu.memory_space<vmem>>
        %parallel_loop3A_267 = arith.index_cast %parallel_loop3A_188 : i32 to index
        %parallel_loop3A_268 = arith.constant 64 : index
        %parallel_loop3A_269 = tpu.vector_load %parallel_loop3A_266[%parallel_loop3A_267, %parallel_loop3A_268] {strides = array<i32>} : memref<128x128xf32, #tpu.memory_space<vmem>>, vector<16xf32>,
        %parallel_loop3A_270 = arith.mulf %parallel_loop3A_262, %parallel_loop3A_269 : vector<16xf32>
        %parallel_loop3A_271 = arith.mulf %parallel_loop3A_270, %get3A_101 : vector<16xf32>
        %parallel_loop3A_272 = arith.addf %parallel_loop3A_255, %parallel_loop3A_271 : vector<16xf32>
        %parallel_loop3A_273 = arith.constant 0 : i32
        %parallel_loop3A_274 = arith.constant 0 : i32
        %parallel_loop3A_275 = tpu.memref_slice %arg11[%parallel_loop3A_177, %parallel_loop3A_273, %parallel_loop3A_274] : memref<2x128x128xf32, #tpu.memory_space<vmem>> -> memref<1x128x128xf32, #tpu.memory_space<vmem>>
        %parallel_loop3A_276 = tpu.memref_squeeze %parallel_loop3A_275 : memref<1x128x128xf32, #tpu.memory_space<vmem>> -> memref<128x128xf32, #tpu.memory_space<vmem>>
        %parallel_loop3A_277 = arith.index_cast %parallel_loop3A_188 : i32 to index
        %parallel_loop3A_278 = arith.constant 80 : index
        %parallel_loop3A_279 = tpu.vector_load %parallel_loop3A_276[%parallel_loop3A_277, %parallel_loop3A_278] {strides = array<i32>} : memref<128x128xf32, #tpu.memory_space<vmem>>, vector<16xf32>,
        %parallel_loop3A_280 = arith.constant 0 : i32
        %parallel_loop3A_281 = arith.constant 0 : i32
        %parallel_loop3A_282 = tpu.memref_slice %arg12[%parallel_loop3A_178, %parallel_loop3A_280, %parallel_loop3A_281] : memref<2x128x128xf32, #tpu.memory_space<vmem>> -> memref<1x128x128xf32, #tpu.memory_space<vmem>>
        %parallel_loop3A_283 = tpu.memref_squeeze %parallel_loop3A_282 : memref<1x128x128xf32, #tpu.memory_space<vmem>> -> memref<128x128xf32, #tpu.memory_space<vmem>>
        %parallel_loop3A_284 = arith.index_cast %parallel_loop3A_188 : i32 to index
        %parallel_loop3A_285 = arith.constant 80 : index
        %parallel_loop3A_286 = tpu.vector_load %parallel_loop3A_283[%parallel_loop3A_284, %parallel_loop3A_285] {strides = array<i32>} : memref<128x128xf32, #tpu.memory_space<vmem>>, vector<16xf32>,
        %parallel_loop3A_287 = arith.mulf %parallel_loop3A_279, %parallel_loop3A_286 : vector<16xf32>
        %parallel_loop3A_288 = arith.mulf %parallel_loop3A_287, %get3A_103 : vector<16xf32>
        %parallel_loop3A_289 = arith.addf %parallel_loop3A_272, %parallel_loop3A_288 : vector<16xf32>
        %parallel_loop3A_290 = arith.constant 0 : i32
        %parallel_loop3A_291 = arith.constant 0 : i32
        %parallel_loop3A_292 = tpu.memref_slice %arg11[%parallel_loop3A_177, %parallel_loop3A_290, %parallel_loop3A_291] : memref<2x128x128xf32, #tpu.memory_space<vmem>> -> memref<1x128x128xf32, #tpu.memory_space<vmem>>
        %parallel_loop3A_293 = tpu.memref_squeeze %parallel_loop3A_292 : memref<1x128x128xf32, #tpu.memory_space<vmem>> -> memref<128x128xf32, #tpu.memory_space<vmem>>
        %parallel_loop3A_294 = arith.index_cast %parallel_loop3A_188 : i32 to index
        %parallel_loop3A_295 = arith.constant 96 : index
        %parallel_loop3A_296 = tpu.vector_load %parallel_loop3A_293[%parallel_loop3A_294, %parallel_loop3A_295] {strides = array<i32>} : memref<128x128xf32, #tpu.memory_space<vmem>>, vector<16xf32>,
        %parallel_loop3A_297 = arith.constant 0 : i32
        %parallel_loop3A_298 = arith.constant 0 : i32
        %parallel_loop3A_299 = tpu.memref_slice %arg12[%parallel_loop3A_178, %parallel_loop3A_297, %parallel_loop3A_298] : memref<2x128x128xf32, #tpu.memory_space<vmem>> -> memref<1x128x128xf32, #tpu.memory_space<vmem>>
        %parallel_loop3A_300 = tpu.memref_squeeze %parallel_loop3A_299 : memref<1x128x128xf32, #tpu.memory_space<vmem>> -> memref<128x128xf32, #tpu.memory_space<vmem>>
        %parallel_loop3A_301 = arith.index_cast %parallel_loop3A_188 : i32 to index
        %parallel_loop3A_302 = arith.constant 96 : index
        %parallel_loop3A_303 = tpu.vector_load %parallel_loop3A_300[%parallel_loop3A_301, %parallel_loop3A_302] {strides = array<i32>} : memref<128x128xf32, #tpu.memory_space<vmem>>, vector<16xf32>,
        %parallel_loop3A_304 = arith.mulf %parallel_loop3A_296, %parallel_loop3A_303 : vector<16xf32>
        %parallel_loop3A_305 = arith.mulf %parallel_loop3A_304, %get3A_105 : vector<16xf32>
        %parallel_loop3A_306 = arith.addf %parallel_loop3A_289, %parallel_loop3A_305 : vector<16xf32>
        %parallel_loop3A_307 = arith.constant 0 : i32
        %parallel_loop3A_308 = arith.constant 0 : i32
        %parallel_loop3A_309 = tpu.memref_slice %arg11[%parallel_loop3A_177, %parallel_loop3A_307, %parallel_loop3A_308] : memref<2x128x128xf32, #tpu.memory_space<vmem>> -> memref<1x128x128xf32, #tpu.memory_space<vmem>>
        %parallel_loop3A_310 = tpu.memref_squeeze %parallel_loop3A_309 : memref<1x128x128xf32, #tpu.memory_space<vmem>> -> memref<128x128xf32, #tpu.memory_space<vmem>>
        %parallel_loop3A_311 = arith.index_cast %parallel_loop3A_188 : i32 to index
        %parallel_loop3A_312 = arith.constant 112 : index
        %parallel_loop3A_313 = tpu.vector_load %parallel_loop3A_310[%parallel_loop3A_311, %parallel_loop3A_312] {strides = array<i32>} : memref<128x128xf32, #tpu.memory_space<vmem>>, vector<16xf32>,
        %parallel_loop3A_314 = arith.constant 0 : i32
        %parallel_loop3A_315 = arith.constant 0 : i32
        %parallel_loop3A_316 = tpu.memref_slice %arg12[%parallel_loop3A_178, %parallel_loop3A_314, %parallel_loop3A_315] : memref<2x128x128xf32, #tpu.memory_space<vmem>> -> memref<1x128x128xf32, #tpu.memory_space<vmem>>
        %parallel_loop3A_317 = tpu.memref_squeeze %parallel_loop3A_316 : memref<1x128x128xf32, #tpu.memory_space<vmem>> -> memref<128x128xf32, #tpu.memory_space<vmem>>
        %parallel_loop3A_318 = arith.index_cast %parallel_loop3A_188 : i32 to index
        %parallel_loop3A_319 = arith.constant 112 : index
        %parallel_loop3A_320 = tpu.vector_load %parallel_loop3A_317[%parallel_loop3A_318, %parallel_loop3A_319] {strides = array<i32>} : memref<128x128xf32, #tpu.memory_space<vmem>>, vector<16xf32>,
        %parallel_loop3A_321 = arith.mulf %parallel_loop3A_313, %parallel_loop3A_320 : vector<16xf32>
        %parallel_loop3A_322 = arith.mulf %parallel_loop3A_321, %get3A_107 : vector<16xf32>
        %parallel_loop3A_323 = arith.addf %parallel_loop3A_306, %parallel_loop3A_322 : vector<16xf32>
        %parallel_loop3A_324 = arith.constant 16 : i32
        %parallel_loop3A_325 = arith.muli %parallel_loop3A_188, %parallel_loop3A_324 : i32
        %parallel_loop3A_326 = arith.index_cast %parallel_loop3A_325 : i32 to index
        %parallel_loop3A_327 = tpu.vector_load %arg15[%parallel_loop3A_326] {strides = array<i32>} : memref<2048xf32, #tpu.memory_space<vmem>>, vector<16xf32>,
        tpu.vector_store %arg15[%parallel_loop3A_326], %parallel_loop3A_323 {strides = array<i32>} : memref<2048xf32, #tpu.memory_space<vmem>>, vector<16xf32>,
      } {sc.loop_unroll_factor = 2 : i64, sc.parallel_access}
      %parallel_loop3A_179 = arith.constant 0 : i32
      %parallel_loop3A_180 = arith.constant 8 : i32
      %parallel_loop3A_181 = arith.constant 1 : i32
      scf.for %parallel_loop3A_188 = %parallel_loop3A_179 to %parallel_loop3A_180 step %parallel_loop3A_181  : i32 {
        %parallel_loop3A_189 = arith.constant 256 : i32
        %parallel_loop3A_190 = arith.muli %parallel_loop3A_188, %parallel_loop3A_189 : i32
        %parallel_loop3A_191 = vector.broadcast %parallel_loop3A_190 : i32 to vector<16xi32>
        %parallel_loop3A_192 = arith.addi %mul3A_110, %parallel_loop3A_191 : vector<16xi32>
        %parallel_loop3A_193 = tpu.vector_load_idx %arg15[%parallel_loop3A_192] : memref<2048xf32, #tpu.memory_space<vmem>>[vector<16xi32>], vector<16xf32>,
        %parallel_loop3A_194 = arith.constant 1 : i32
        %parallel_loop3A_195 = arith.addi %parallel_loop3A_190, %parallel_loop3A_194 : i32
        %parallel_loop3A_196 = vector.broadcast %parallel_loop3A_195 : i32 to vector<16xi32>
        %parallel_loop3A_197 = arith.addi %mul3A_110, %parallel_loop3A_196 : vector<16xi32>
        %parallel_loop3A_198 = tpu.vector_load_idx %arg15[%parallel_loop3A_197] : memref<2048xf32, #tpu.memory_space<vmem>>[vector<16xi32>], vector<16xf32>,
        %parallel_loop3A_199 = arith.addf %parallel_loop3A_193, %parallel_loop3A_198 : vector<16xf32>
        %parallel_loop3A_200 = arith.constant 2 : i32
        %parallel_loop3A_201 = arith.addi %parallel_loop3A_190, %parallel_loop3A_200 : i32
        %parallel_loop3A_202 = vector.broadcast %parallel_loop3A_201 : i32 to vector<16xi32>
        %parallel_loop3A_203 = arith.addi %mul3A_110, %parallel_loop3A_202 : vector<16xi32>
        %parallel_loop3A_204 = tpu.vector_load_idx %arg15[%parallel_loop3A_203] : memref<2048xf32, #tpu.memory_space<vmem>>[vector<16xi32>], vector<16xf32>,
        %parallel_loop3A_205 = arith.addf %parallel_loop3A_199, %parallel_loop3A_204 : vector<16xf32>
        %parallel_loop3A_206 = arith.constant 3 : i32
        %parallel_loop3A_207 = arith.addi %parallel_loop3A_190, %parallel_loop3A_206 : i32
        %parallel_loop3A_208 = vector.broadcast %parallel_loop3A_207 : i32 to vector<16xi32>
        %parallel_loop3A_209 = arith.addi %mul3A_110, %parallel_loop3A_208 : vector<16xi32>
        %parallel_loop3A_210 = tpu.vector_load_idx %arg15[%parallel_loop3A_209] : memref<2048xf32, #tpu.memory_space<vmem>>[vector<16xi32>], vector<16xf32>,
        %parallel_loop3A_211 = arith.addf %parallel_loop3A_205, %parallel_loop3A_210 : vector<16xf32>
        %parallel_loop3A_212 = arith.constant 4 : i32
        %parallel_loop3A_213 = arith.addi %parallel_loop3A_190, %parallel_loop3A_212 : i32
        %parallel_loop3A_214 = vector.broadcast %parallel_loop3A_213 : i32 to vector<16xi32>
        %parallel_loop3A_215 = arith.addi %mul3A_110, %parallel_loop3A_214 : vector<16xi32>
        %parallel_loop3A_216 = tpu.vector_load_idx %arg15[%parallel_loop3A_215] : memref<2048xf32, #tpu.memory_space<vmem>>[vector<16xi32>], vector<16xf32>,
        %parallel_loop3A_217 = arith.addf %parallel_loop3A_211, %parallel_loop3A_216 : vector<16xf32>
        %parallel_loop3A_218 = arith.constant 5 : i32
        %parallel_loop3A_219 = arith.addi %parallel_loop3A_190, %parallel_loop3A_218 : i32
        %parallel_loop3A_220 = vector.broadcast %parallel_loop3A_219 : i32 to vector<16xi32>
        %parallel_loop3A_221 = arith.addi %mul3A_110, %parallel_loop3A_220 : vector<16xi32>
        %parallel_loop3A_222 = tpu.vector_load_idx %arg15[%parallel_loop3A_221] : memref<2048xf32, #tpu.memory_space<vmem>>[vector<16xi32>], vector<16xf32>,
        %parallel_loop3A_223 = arith.addf %parallel_loop3A_217, %parallel_loop3A_222 : vector<16xf32>
        %parallel_loop3A_224 = arith.constant 6 : i32
        %parallel_loop3A_225 = arith.addi %parallel_loop3A_190, %parallel_loop3A_224 : i32
        %parallel_loop3A_226 = vector.broadcast %parallel_loop3A_225 : i32 to vector<16xi32>
        %parallel_loop3A_227 = arith.addi %mul3A_110, %parallel_loop3A_226 : vector<16xi32>
        %parallel_loop3A_228 = tpu.vector_load_idx %arg15[%parallel_loop3A_227] : memref<2048xf32, #tpu.memory_space<vmem>>[vector<16xi32>], vector<16xf32>,
        %parallel_loop3A_229 = arith.addf %parallel_loop3A_223, %parallel_loop3A_228 : vector<16xf32>
        %parallel_loop3A_230 = arith.constant 7 : i32
        %parallel_loop3A_231 = arith.addi %parallel_loop3A_190, %parallel_loop3A_230 : i32
        %parallel_loop3A_232 = vector.broadcast %parallel_loop3A_231 : i32 to vector<16xi32>
        %parallel_loop3A_233 = arith.addi %mul3A_110, %parallel_loop3A_232 : vector<16xi32>
        %parallel_loop3A_234 = tpu.vector_load_idx %arg15[%parallel_loop3A_233] : memref<2048xf32, #tpu.memory_space<vmem>>[vector<16xi32>], vector<16xf32>,
        %parallel_loop3A_235 = arith.addf %parallel_loop3A_229, %parallel_loop3A_234 : vector<16xf32>
        %parallel_loop3A_236 = arith.constant 8 : i32
        %parallel_loop3A_237 = arith.addi %parallel_loop3A_190, %parallel_loop3A_236 : i32
        %parallel_loop3A_238 = vector.broadcast %parallel_loop3A_237 : i32 to vector<16xi32>
        %parallel_loop3A_239 = arith.addi %mul3A_110, %parallel_loop3A_238 : vector<16xi32>
        %parallel_loop3A_240 = tpu.vector_load_idx %arg15[%parallel_loop3A_239] : memref<2048xf32, #tpu.memory_space<vmem>>[vector<16xi32>], vector<16xf32>,
        %parallel_loop3A_241 = arith.addf %parallel_loop3A_235, %parallel_loop3A_240 : vector<16xf32>
        %parallel_loop3A_242 = arith.constant 9 : i32
        %parallel_loop3A_243 = arith.addi %parallel_loop3A_190, %parallel_loop3A_242 : i32
        %parallel_loop3A_244 = vector.broadcast %parallel_loop3A_243 : i32 to vector<16xi32>
        %parallel_loop3A_245 = arith.addi %mul3A_110, %parallel_loop3A_244 : vector<16xi32>
        %parallel_loop3A_246 = tpu.vector_load_idx %arg15[%parallel_loop3A_245] : memref<2048xf32, #tpu.memory_space<vmem>>[vector<16xi32>], vector<16xf32>,
        %parallel_loop3A_247 = arith.addf %parallel_loop3A_241, %parallel_loop3A_246 : vector<16xf32>
        %parallel_loop3A_248 = arith.constant 10 : i32
        %parallel_loop3A_249 = arith.addi %parallel_loop3A_190, %parallel_loop3A_248 : i32
        %parallel_loop3A_250 = vector.broadcast %parallel_loop3A_249 : i32 to vector<16xi32>
        %parallel_loop3A_251 = arith.addi %mul3A_110, %parallel_loop3A_250 : vector<16xi32>
        %parallel_loop3A_252 = tpu.vector_load_idx %arg15[%parallel_loop3A_251] : memref<2048xf32, #tpu.memory_space<vmem>>[vector<16xi32>], vector<16xf32>,
        %parallel_loop3A_253 = arith.addf %parallel_loop3A_247, %parallel_loop3A_252 : vector<16xf32>
        %parallel_loop3A_254 = arith.constant 11 : i32
        %parallel_loop3A_255 = arith.addi %parallel_loop3A_190, %parallel_loop3A_254 : i32
        %parallel_loop3A_256 = vector.broadcast %parallel_loop3A_255 : i32 to vector<16xi32>
        %parallel_loop3A_257 = arith.addi %mul3A_110, %parallel_loop3A_256 : vector<16xi32>
        %parallel_loop3A_258 = tpu.vector_load_idx %arg15[%parallel_loop3A_257] : memref<2048xf32, #tpu.memory_space<vmem>>[vector<16xi32>], vector<16xf32>,
        %parallel_loop3A_259 = arith.addf %parallel_loop3A_253, %parallel_loop3A_258 : vector<16xf32>
        %parallel_loop3A_260 = arith.constant 12 : i32
        %parallel_loop3A_261 = arith.addi %parallel_loop3A_190, %parallel_loop3A_260 : i32
        %parallel_loop3A_262 = vector.broadcast %parallel_loop3A_261 : i32 to vector<16xi32>
        %parallel_loop3A_263 = arith.addi %mul3A_110, %parallel_loop3A_262 : vector<16xi32>
        %parallel_loop3A_264 = tpu.vector_load_idx %arg15[%parallel_loop3A_263] : memref<2048xf32, #tpu.memory_space<vmem>>[vector<16xi32>], vector<16xf32>,
        %parallel_loop3A_265 = arith.addf %parallel_loop3A_259, %parallel_loop3A_264 : vector<16xf32>
        %parallel_loop3A_266 = arith.constant 13 : i32
        %parallel_loop3A_267 = arith.addi %parallel_loop3A_190, %parallel_loop3A_266 : i32
        %parallel_loop3A_268 = vector.broadcast %parallel_loop3A_267 : i32 to vector<16xi32>
        %parallel_loop3A_269 = arith.addi %mul3A_110, %parallel_loop3A_268 : vector<16xi32>
        %parallel_loop3A_270 = tpu.vector_load_idx %arg15[%parallel_loop3A_269] : memref<2048xf32, #tpu.memory_space<vmem>>[vector<16xi32>], vector<16xf32>,
        %parallel_loop3A_271 = arith.addf %parallel_loop3A_265, %parallel_loop3A_270 : vector<16xf32>
        %parallel_loop3A_272 = arith.constant 14 : i32
        %parallel_loop3A_273 = arith.addi %parallel_loop3A_190, %parallel_loop3A_272 : i32
        %parallel_loop3A_274 = vector.broadcast %parallel_loop3A_273 : i32 to vector<16xi32>
        %parallel_loop3A_275 = arith.addi %mul3A_110, %parallel_loop3A_274 : vector<16xi32>
        %parallel_loop3A_276 = tpu.vector_load_idx %arg15[%parallel_loop3A_275] : memref<2048xf32, #tpu.memory_space<vmem>>[vector<16xi32>], vector<16xf32>,
        %parallel_loop3A_277 = arith.addf %parallel_loop3A_271, %parallel_loop3A_276 : vector<16xf32>
        %parallel_loop3A_278 = arith.constant 15 : i32
        %parallel_loop3A_279 = arith.addi %parallel_loop3A_190, %parallel_loop3A_278 : i32
        %parallel_loop3A_280 = vector.broadcast %parallel_loop3A_279 : i32 to vector<16xi32>
        %parallel_loop3A_281 = arith.addi %mul3A_110, %parallel_loop3A_280 : vector<16xi32>
        %parallel_loop3A_282 = tpu.vector_load_idx %arg15[%parallel_loop3A_281] : memref<2048xf32, #tpu.memory_space<vmem>>[vector<16xi32>], vector<16xf32>,
        %parallel_loop3A_283 = arith.addf %parallel_loop3A_277, %parallel_loop3A_282 : vector<16xf32>
        %parallel_loop3A_284 = arith.addf %parallel_loop3A_283, %get3A_112 : vector<16xf32>
        %parallel_loop3A_285 = arith.constant 128 : i32
        %parallel_loop3A_286 = arith.muli %add3A_173, %parallel_loop3A_285 : i32
        %parallel_loop3A_287 = arith.constant 16 : i32
        %parallel_loop3A_288 = arith.muli %parallel_loop3A_188, %parallel_loop3A_287 : i32
        %parallel_loop3A_289 = arith.addi %parallel_loop3A_286, %parallel_loop3A_288 : i32
        %parallel_loop3A_290 = arith.index_cast %parallel_loop3A_289 : i32 to index
        %parallel_loop3A_291 = tpu.vector_load %arg16[%parallel_loop3A_290] {strides = array<i32>} : memref<512xf32, #tpu.memory_space<vmem>>, vector<16xf32>,
        tpu.vector_store %arg16[%parallel_loop3A_290], %parallel_loop3A_284 {strides = array<i32>} : memref<512xf32, #tpu.memory_space<vmem>>, vector<16xf32>,
      } {sc.loop_unroll_factor = 1 : i64, sc.parallel_access}
      %lt3A_182 = arith.constant 1 : i32
      %lt3A_183 = arith.cmpi slt, %scan3A_119, %lt3A_182 : i32
      %convert_element_type3A_184 = arith.extui %lt3A_183 : i1 to i32
      %cond3A_185 = arith.constant 0 : i32
      %cond3A_186 = arith.cmpi ne, %convert_element_type3A_184, %cond3A_185 : i32
      scf.if %cond3A_186 {
        %add3A_188 = arith.constant 3 : i32
        %add3A_189 = arith.addi %mul3A_122, %add3A_188 : i32
        %mul3A_190 = arith.constant 128 : i32
        %mul3A_191 = arith.muli %add3A_189, %mul3A_190 : i32
        %dma_start3A_192 = arith.constant 1 : i32
        %dma_start3A_193 = arith.constant 0 : i32
        %dma_start3A_194 = arith.constant 0 : i32
        %dma_start3A_195 = tpu.memref_slice %arg11[%dma_start3A_192, %dma_start3A_193, %dma_start3A_194] : memref<2x128x128xf32, #tpu.memory_space<vmem>> -> memref<1x128x128xf32, #tpu.memory_space<vmem>>
        %dma_start3A_196 = tpu.memref_squeeze %dma_start3A_195 : memref<1x128x128xf32, #tpu.memory_space<vmem>> -> memref<128x128xf32, #tpu.memory_space<vmem>>
        %dma_start3A_197 = tpu.memref_slice %arg9[%mul3A_191] : memref<512xi32, #tpu.memory_space<vmem>> -> memref<128xi32, #tpu.memory_space<vmem>>
        %dma_start3A_198 = arith.constant 0 : i32
        %dma_start3A_199 = arith.constant 0 : i32
        %dma_start3A_200 = tpu.memref_slice %arg4[%dma_start3A_198, %dma_start3A_199] : memref<1000000x128xf32, #tpu.memory_space<hbm>> -> memref<1000000x128xf32, #tpu.memory_space<hbm>>
        tpu.enqueue_indirect_dma source(%dma_start3A_200 : memref<1000000x128xf32, #tpu.memory_space<hbm>>) target(%dma_start3A_196 : memref<128x128xf32, #tpu.memory_space<vmem>>) offsets(%dma_start3A_197 : memref<128xi32, #tpu.memory_space<vmem>>) semaphore(%arg18 : memref<!tpu.dma_semaphore, #tpu.memory_space<semaphore_mem>>)
        %mul3A_201 = arith.constant 128 : i32
        %mul3A_202 = arith.muli %add3A_189, %mul3A_201 : i32
        %dma_start3A_203 = arith.constant 1 : i32
        %dma_start3A_204 = arith.constant 0 : i32
        %dma_start3A_205 = arith.constant 0 : i32
        %dma_start3A_206 = tpu.memref_slice %arg12[%dma_start3A_203, %dma_start3A_204, %dma_start3A_205] : memref<2x128x128xf32, #tpu.memory_space<vmem>> -> memref<1x128x128xf32, #tpu.memory_space<vmem>>
        %dma_start3A_207 = tpu.memref_squeeze %dma_start3A_206 : memref<1x128x128xf32, #tpu.memory_space<vmem>> -> memref<128x128xf32, #tpu.memory_space<vmem>>
        %dma_start3A_208 = tpu.memref_slice %arg10[%mul3A_202] : memref<512xi32, #tpu.memory_space<vmem>> -> memref<128xi32, #tpu.memory_space<vmem>>
        %dma_start3A_209 = arith.constant 0 : i32
        %dma_start3A_210 = arith.constant 0 : i32
        %dma_start3A_211 = tpu.memref_slice %arg5[%dma_start3A_209, %dma_start3A_210] : memref<1000000x128xf32, #tpu.memory_space<hbm>> -> memref<1000000x128xf32, #tpu.memory_space<hbm>>
        tpu.enqueue_indirect_dma source(%dma_start3A_211 : memref<1000000x128xf32, #tpu.memory_space<hbm>>) target(%dma_start3A_207 : memref<128x128xf32, #tpu.memory_space<vmem>>) offsets(%dma_start3A_208 : memref<128xi32, #tpu.memory_space<vmem>>) semaphore(%arg20 : memref<!tpu.dma_semaphore, #tpu.memory_space<semaphore_mem>>)
      } else {
      }
      %scan3A_187 = arith.constant 0 : i32
      scf.yield %scan3A_187 : i32
    }
    %scan3A_118 = arith.constant 2 : i32
    "tpu.region"() ({
      %run_scoped3A = tpu.sem_alloc : memref<!tpu.dma_semaphore, #tpu.memory_space<semaphore_mem>>
      %dma_start3A_119 = tpu.memref_slice %arg8[%mul3A_2] : memref<16384xf32, #tpu.memory_space<hbm>> -> memref<512xf32, #tpu.memory_space<hbm>>
      %dma_start3A_120 = tpu.memref_slice %arg8[%mul3A_2] : memref<16384xf32, #tpu.memory_space<hbm>> -> memref<512xf32, #tpu.memory_space<hbm>>
      tpu.enqueue_dma source(%arg16 : memref<512xf32, #tpu.memory_space<vmem>>) target(%dma_start3A_120 : memref<512xf32, #tpu.memory_space<hbm>>) target_semaphore(%run_scoped3A : memref<!tpu.dma_semaphore, #tpu.memory_space<semaphore_mem>>)
      %dma_wait3A_121 = tpu.memref_slice %arg8[%mul3A_2] : memref<16384xf32, #tpu.memory_space<hbm>> -> memref<512xf32, #tpu.memory_space<hbm>>
      %dma_wait3A_122 = tpu.memref_slice %arg8[%mul3A_2] : memref<16384xf32, #tpu.memory_space<hbm>> -> memref<512xf32, #tpu.memory_space<hbm>>
      tpu.wait_dma2 semaphore(%run_scoped3A : memref<!tpu.dma_semaphore, #tpu.memory_space<semaphore_mem>>) src(%arg16 : memref<512xf32, #tpu.memory_space<vmem>>) dst(%dma_wait3A_122 : memref<512xf32, #tpu.memory_space<hbm>>)
      tpu.yield
    }) : () -> ()
    return
  }
}

</mosaic_0001>

<sc_bundles>
// kernel: kernel.3.cloned.1.call-start
scs
__scs_entry_jumppad:
0x0: {  	(pc) =	sbr.rel $0x88, $3  }
0x1: {  	(tag) =	ssettag $0x0;
	lr =	simm.s32 $0x1  }
0x2: {  	[smem:$0x3F9B] =	sst lr;
	_ =	strace $0xD0000000  }
0x3: {  	_ = 	snop  }
0x4: {  	_ = 	snop  }
0x5: {  	_ = 	snop  }
0x6: {  	_ = 	snop  }
0x7: {  	_ = 	snop  }
__scs_overlays_trampoline_lowered:
0x8: {  	[smem:$0x3FAA] =	sst s0  }
0x9: {  	[smem:$0x3FAB] =	sst s1  }
0xa: {  	[smem:$0x3FAC] =	sst s2  }
0xb: {  	[smem:$0x3FAD] =	sst s3  }
0xc: {  	[smem:$0x3FAE] =	sst s4  }
0xd: {  	[smem:$0x3FAF] =	sst s5  }
0xe: {  	[smem:$0x3FB0] =	sst s6  }
0xf: {  	[smem:$0x3FB1] =	sst s7  }
0x10: {  	[smem:$0x3FB2] =	sst s8  }
0x11: {  	[smem:$0x3FB3] =	sst s9;
	s0 =	simm.s32 @!p0 $0x0  }
0x12: {  	s1 =	sld [smem:$0x3F99];
	s0 =	simm.s32 @p0 $0x1  }
0x13: {  	[smem:$0x3FB4] =	sst s0;
	s0 =	simm.s32 @!p1 $0x0  }
0x14: {  	s2 =	sld [smem:$0x3F98];
	s0 =	simm.s32 @p1 $0x1  }
0x15: {  	[smem:$0x3FB5] =	sst s0;
	s0 =	simm.s32 @!p2 $0x0  }
0x16: {  	s3 =	sld [smem:$0x3FDB];
	s0 =	simm.s32 @p2 $0x1  }
0x17: {  	s4 =	simm.s32 $0x1BF5;
	[smem:$0x3FB7] =	sst s0  }
0x18: {  	s0 =	sld [smem:$0x3F9A];
	_ =	swait.ge [sflag:s4], $0x0  }
0x19: {  	s7 =	sld [smem:$0x3F9B]  }
0x1a: {  	s8 =	sadd.s32 $0xFFFFE003, lr  }
0x1b: {  	s9 =	sadd.s32 $0xFFFFFEF7, lr;
	s5 =	simm.s32 $0xFFFFFFFF;
	p2 =	slt.u32 s8, $0xFFFFF086  }
0x1c: {  	p1 =	slt.u32 s9, $0xF7A;
	s5 =	simm.s32 @!p2 $0x0  }
0x1d: {  	s5 =	simm.s32 @p1 $0x1;
	p0 =	seq.s32 s7, s2  }
0x1e: {  	s7 =	smul.u32 @!p0 $0xF7A, s2;
	p2 =	seq.s32 @!p0 s5, $0x0  }
0x1f: {  	s9 =	smul.u32 $0xF7A, s1;
	s8 =	simm.s32 @!p0 $0x1BF5;
	p2 =	por !p2, p0  }
0x20: {  	[sflag:s8] =	ssyncset.s32 @!p0 $0xFFFFF086;
	s6 =	sadd.s32 @!p0 s3, s7;
	s7 =	simm.s32 @!p0 $0x108  }
0x21: {  	s3 =	sadd.s32 s3, s9;
	s6 =	sadd.s32 @!p0 $0x88, s6;
	s7 =	simm.s32 @p2 $0x1082  }
0x22: {  	[simem:s7], [sflag:s8] =	dma.local @!p0 [hbm:s6], $0xF7A  }
0x23: {  	s9 =	sor.u32 $0xD0000000, s2;
	s6 =	simm.s32 $0x108;
	_ =	swait.ge @!p0 [sflag:s8], $0x0  }
0x24: {  	s3 =	sadd.s32 $0x88, s3;
	s6 =	simm.s32 @!p1 $0x1082;
	[sflag:s4] =	ssyncset.s32 $0xFFFFF086  }
0x25: {  	[simem:s6], [sflag:s4] =	dma.local [hbm:s3], $0xF7A  }
0x26: {  	[smem:$0x3F9B] =	sst s1;
	(tag) =	ssettag s2;
	_ =	strace s9  }
0x27: {  	s1 =	sld [smem:$0x3FAB]  }
0x28: {  	s2 =	sld [smem:$0x3FAC]  }
0x29: {  	s4 =	sld [smem:$0x3FAE]  }
0x2a: {  	p0 =	seq.s32 s5, $0x0;
	s5 =	sld [smem:$0x3FAF]  }
0x2b: {  	s6 =	sld [smem:$0x3FB0]  }
0x2c: {  	s7 =	sld [smem:$0x3FB1]  }
0x2d: {  	s3 =	simm.s32 $0x108;
	s8 =	sld [smem:$0x3FB2]  }
0x2e: {  	s3 =	simm.s32 @!p0 $0x1082;
	s9 =	sld [smem:$0x3FB3]  }
0x2f: {  	lr =	sadd.s32 s0, s3;
	s0 =	sld [smem:$0x3FAA]  }
0x30: {  	s3 =	sld [smem:$0x3FAD]  }
0x31: {  	[smem:$0x3FB6] =	sst s10  }
0x32: {  	s10 =	sld [smem:$0x3FB4];
	_ =	sdelay $0x3  }
0x33: {  	p0 =	seq.s32 s10, $0x1;
	s10 =	sld [smem:$0x3FB6];
	_ =	sdelay $0x3  }
0x34: {  	[smem:$0x3FB6] =	sst s10  }
0x35: {  	s10 =	sld [smem:$0x3FB5];
	_ =	sdelay $0x3  }
0x36: {  	p1 =	seq.s32 s10, $0x1;
	s10 =	sld [smem:$0x3FB6];
	_ =	sdelay $0x3  }
0x37: {  	[smem:$0x3FB6] =	sst s10  }
0x38: {  	s10 =	sld [smem:$0x3FB7]  }
0x39: {  	_ = 	snop;
	(pc) =	sbr.ind lr, $3  }
0x3a: {  	_ = 	snop  }
0x3b: {  	_ = 	snop  }
0x3c: {  	p2 =	seq.s32 s10, $0x1;
	s10 =	sld [smem:$0x3FB6]  }
0x3d: {  	_ =	shalt  }
0x3e: {  	_ =	shalt  }
0x3f: {  	_ =	shalt  }
0x40: {  	_ =	shalt  }
0x41: {  	_ =	shalt  }
0x42: {  	_ =	shalt  }
0x43: {  	_ =	shalt  }
0x44: {  	_ =	shalt  }
0x45: {  	_ =	shalt  }
0x46: {  	_ =	shalt  }
0x47: {  	_ =	shalt  }
0x48: {  	_ =	shalt  }
0x49: {  	_ =	shalt  }
0x4a: {  	_ =	shalt  }
0x4b: {  	_ =	shalt  }
0x4c: {  	_ =	shalt  }
0x4d: {  	_ =	shalt  }
0x4e: {  	_ =	shalt  }
0x4f: {  	_ =	shalt  }
0x50: {  	_ =	shalt  }
0x51: {  	_ =	shalt  }
0x52: {  	_ =	shalt  }
0x53: {  	_ =	shalt  }
0x54: {  	_ =	shalt  }
0x55: {  	_ =	shalt  }
0x56: {  	_ =	shalt  }
0x57: {  	_ =	shalt  }
0x58: {  	_ =	shalt  }
0x59: {  	_ =	shalt  }
0x5a: {  	_ =	shalt  }
0x5b: {  	_ =	shalt  }
0x5c: {  	_ =	shalt  }
0x5d: {  	_ =	shalt  }
0x5e: {  	_ =	shalt  }
0x5f: {  	_ =	shalt  }
0x60: {  	_ =	shalt  }
0x61: {  	_ =	shalt  }
0x62: {  	_ =	shalt  }
0x63: {  	_ =	shalt  }
0x64: {  	_ =	shalt  }
0x65: {  	_ =	shalt  }
0x66: {  	_ =	shalt  }
0x67: {  	_ =	shalt  }
0x68: {  	_ =	shalt  }
0x69: {  	_ =	shalt  }
0x6a: {  	_ =	shalt  }
0x6b: {  	_ =	shalt  }
0x6c: {  	_ =	shalt  }
0x6d: {  	_ =	shalt  }
0x6e: {  	_ =	shalt  }
0x6f: {  	_ =	shalt  }
0x70: {  	_ =	shalt  }
0x71: {  	_ =	shalt  }
0x72: {  	_ =	shalt  }
0x73: {  	_ =	shalt  }
0x74: {  	_ =	shalt  }
0x75: {  	_ =	shalt  }
0x76: {  	_ =	shalt  }
0x77: {  	_ =	shalt  }
0x78: {  	_ =	shalt  }
0x79: {  	_ =	shalt  }
0x7a: {  	_ =	shalt  }
0x7b: {  	_ =	shalt  }
0x7c: {  	_ =	shalt  }
0x7d: {  	_ =	shalt  }
0x7e: {  	_ =	shalt  }
0x7f: {  	_ =	shalt  }
0x80: {  	_ =	shalt  }
0x81: {  	_ =	shalt  }
0x82: {  	_ =	shalt  }
0x83: {  	_ =	shalt  }
0x84: {  	_ =	shalt  }
0x85: {  	_ =	shalt  }
0x86: {  	_ =	shalt  }
0x87: {  	_ =	shalt  }
.Lfunc_end0:
.L_simem_size_0:
called_computation_lowered:
.L_overlay_start_0:
0x88: {  	s2 =	sld [smem:$0x3FD9]  }
0x89: {  	s3 =	sld [smem:$0x3FFE];
	_ =	sdelay $0x1  }
0x8a: {  	s1 =	srdreg.scid  }
0x8b: {  	s0 =	sand.u32 $0x1, s1  }
0x8c: {  	s17 =	sshll.u32 s0, $0xA;
	s2 =	sadd.s32 s3, s2  }
0x8d: {  	s2 =	sadd.s32 s2, s17  }
0x8e: {  	[smem:$0x3FC2] =	sst s2  }
0x8f: {  	_ = 	snop  }
0x90: {  	s2 =	sld [smem:$0x3FC9]  }
0x91: {  	s18 =	sld [smem:$0x3FC8]  }
0x92: {  	s4 =	sld [smem:$0x3FC7]  }
0x93: {  	s5 =	sld [smem:$0x3FC6]  }
0x94: {  	s6 =	sld [smem:$0x3FC5]  }
0x95: {  	s7 =	sld [smem:$0x3FD0];
	(tm) =	ssettm $0x1  }
0x96: {  	s8 =	sld [smem:$0x3FFB];
	_ =	sdelay $0x3  }
0x97: {  	_ =	strace s8  }
0x98: {  	s8 =	sld [smem:$0x3FFC];
	_ =	sdelay $0x3  }
0x99: {  	_ =	strace s8  }
0x9a: {  	s8 =	sld [smem:$0x3FFD];
	_ =	sdelay $0x3  }
0x9b: {  	_ =	strace s8  }
0x9c: {  	_ =	strace $0x8FFFFFFF  }
0x9d: {  	s19 =	sld [smem:$0x3FDB];
	_ =	sdelay $0x1  }
0x9e: {  	s9 =	simm.s32 $_scs_section_size  }
0x9f: {  	s10 =	simm.s32 $_size__tile_overlayer_lowered;
	s11 =	simm.s32 $_tile_overlayer_lowered  }
0xa0: {  	s22 =	simm.s32 $0x1BFF;
	s21 =	sshll.u32 s11, $0x1;
	s8 =	sadd.s32 s9, s19  }
0xa1: {  	s12 =	simm.s32 $0x0;
	s20 =	sshll.u32 s10, $0x1;
	s10 =	sadd.s32 s21, s8  }
0xa2: {  	[timem:s12], [sflag:s22] =	dma.local [hbm:s10], s20  }
0xa3: {  	_ =	swait.ge [sflag:s22], s20  }
0xa4: {  	s9 =	ssub.s32 $0x0, s20;
	[sflag:s22] =	ssyncset.done $0x0  }
0xa5: {  	[sflag:s22] =	ssyncadd.s32 s9;
	_ =	sdelay $0x1  }
0xa6: {  	s23 =	simm.s32 $0x1B8B  }
0xa7: {  	_ =	swait.ge [sflag:s23], $0x1  }
0xa8: {  	[sflag:s23] =	ssyncset.done $0x0  }
0xa9: {  	s25 =	simm.s32 $0x1B8E;
	s24 =	sld [smem:$0x3FFE];
	[sflag:s23] =	ssyncadd.s32 $0xFFFFFFFF  }
0xaa: {  	s26 =	simm.s32 $execute0_lowered;
	[smem:$0x3FD2] =	sst s25  }
0xab: {  	s10 =	sshll.u32 s26, $0x1;
	_ =	strace $0x80000046;
	[dreg:$0x1] =	wrdreg $0xFFFFFFFF  }
0xac: {  	s28 =	simm.s32 $_size_execute0_lowered;
	s8 =	sadd.s32 s8, s10;
	[dreg:$0x0] =	wrdreg $0x0  }
0xad: {  	s10 =	sshll.u32 s28, $0x1;
	[dreg:$0x2] =	wrdreg s8  }
0xae: {  	[dreg:$0x3] =	wrdreg s10  }
0xaf: {  	[dreg:$0x4] =	wrdreg $0xC0  }
0xb0: {  	_ =	task [dreg:s12], $0x5FFFF  }
0xb1: {  	[dreg:$0x1] =	wrdreg $0xFFFFFFFF  }
0xb2: {  	[dreg:$0x0] =	wrdreg $0x60  }
0xb3: {  	[dreg:$0x2] =	wrdreg s2  }
0xb4: {  	[dreg:$0x3] =	wrdreg s18  }
0xb5: {  	[dreg:$0x4] =	wrdreg s4  }
0xb6: {  	[dreg:$0x5] =	wrdreg s5  }
0xb7: {  	[dreg:$0x6] =	wrdreg s6  }
0xb8: {  	[dreg:$0x7] =	wrdreg s24  }
0xb9: {  	[dreg:$0x8] =	wrdreg s7  }
0xba: {  	[dreg:$0x9] =	wrdreg $0x9  }
0xbb: {  	_ =	task.clear_ibuf [dreg:s12], $0xAFFFF;
	_ =	strace $0x90000046  }
0xbc: {  	s29 =	simm.s32 $0x9;
	_ =	strace $0x80000048  }
0xbd: {  	_ =	swait.ge [sflag:s29], $0x1  }
0xbe: {  	[sflag:s29] =	ssyncadd.s32 $0xFFFFFFFF  }
0xbf: {  	_ =	strace $0x90000048  }
0xc0: {  	_ =	sfence  }
0xc1: {  	s30 =	sld [smem:$0x0];
	_ =	sdelay $0x2  }
0xc2: {  	s31 =	sshll.u32 s1, $0xD;
	s1 =	sshrl.u32 s1, $0x2  }
0xc3: {  	s3 =	sand.u32 $0x4000, s31;
	s1 =	sadd.s32 s1, s30  }
0xc4: {  	s0 =	sor.u32 s3, s0;
	s1 =	sshll.u32 s1, $0x11  }
0xc5: {  	s0 =	sor.u32 s1, s0  }
0xc6: {  	s0 =	sadd.s32 $0x8F2B, s0  }
0xc7: {  	[sflag:s0] =	ssyncadd.remote.s32 $0x1  }
0xc8: {  	_ =	sfence.sel $0xFFFF  }
0xc9: {  	[dreg:$0x0] =	wrdreg $0xFFFFFFFF;
	(pc) =	sbr.abs _section_cstart, $3  }
0xca: {  	[dreg:$0x1] =	wrdreg $0xFFFFFFFF  }
0xcb: {  	_ =	task.clear_ibuf [dreg:s12], $0x2FFFF;
	_ =	strace $0x9FFFFFFF  }
0xcc: {  	(tm) =	ssettm $0x7FFFFFFF  }
0xcd: {  	_ =	shalt  }
tec
execute0_lowered:
.L_overlay_start_1:
0x0: {  	(tag) =	ssettag $0x1  }
0x1: {  	s0 =	rddreg [dreg:$0x0]  }
0x2: {  	s3 =	rddreg [dreg:$0x1]  }
0x3: {  	s1 =	rddreg [dreg:$0x2]  }
0x4: {  	s2 =	rddreg [dreg:$0x3]  }
0x5: {  	s4 =	rddreg [dreg:$0x5]  }
0x6: {  	s11 =	rddreg [dreg:$0x6];
	s5 =	simm.s32 $0x0;
	s6 =	srdreg.scid  }
0x7: {  	s8 =	stileid.u32;
	s13 =	simm.s32 $0x200;
	s14 =	simm.s32 $0x80  }
0x8: {  	s15 =	simm.s32 $0x280;
	s16 =	simm.s32 $0x1;
	s17 =	simm.s32 $0x3  }
0x9: {  	s20 =	simm.s32 $0x2;
	s21 =	simm.s32 $0x4;
	s22 =	simm.s32 $0x4400  }
0xa: {  	s23 =	simm.s32 $0xC400;
	s25 =	simm.s32 $0x5;
	s28 =	simm.s32 $0x10500  }
0xb: {  	s30 =	simm.s32 $0x180;
	s31 =	simm.s32 $0x380;
	[smem:$0x7FF] =	sst s5  }
0xc: {  	s6 =	sand.u32 $0x1, s6;
	s8 =	sshll.u32 s8, $0x7;
	_ =	strace $0x80000047  }
.Ltmp0:
0xd: {  	s7 =	ssub.s32 $0x2, s6;
	s9 =	sshll.u32 s6, $0x6;
	(pc) =	sbr.rel .LBB2_1-.Ltmp0, $4  }
0xe: {  	s6 =	sadd.s32 $0x400, s4;
	s29 =	sshrl.u32 s7, $0x1;
	s12 =	sor.u32 s9, s8  }
0xf: {  	v0 =	vlaneseq.u32;
	s4 =	ssub.s32 s7, s29;
	s7 =	sadd.s32 s0, s12;
	s10 =	sor.u32 $0x10, s12  }
0x10: {  	v0 =	vmul.u32 $0x10, v0;
	s8 =	sadd.s32 s3, s12;
	s11 =	sadd.s32 s11, s12;
	s9 =	sadd.s32 s0, s10  }
0x11: {  	s10 =	sadd.s32 s3, s10;
	s12 =	smax.u32 s4, $0x1;
	s0 =	simm.s32 $0x0  }
.LBB2_12:
0x12: {  	s0 =	sadd.s32 $0x1, s0  }
0x13: {  	p0 =	sne.s32 s0, s12  }
.Ltmp1:
0x14: {  	s3 =	simm.s32 $0x10D00;
	(pc) =	sbr.rel @!p0 .LBB2_13-.Ltmp1, $4  }
0x15: {  	[hbm4b:s11+s5] =	stream.linear.scatter [tilespmem:s3], [sflag:$0x5], $0x200, $0x38;
	[tilespmem:$0x10F00] =	vst v63  }
0x16: {  	_ =	swait.ge [sflag:s25], $0x200  }
0x17: {  	[sflag:s25] =	ssyncset.done $0x0  }
0x18: {  	[sflag:s25] =	ssyncadd.s32 $0xFFFFFE00  }
.LBB2_1:
0x19: {  	[tilespmem:s5], [sflag:$0x1] =	stream.linear.gather [hbm4b:s7+s5], $0x80, $0x38;
	[tilespmem:$0x10F00] =	vst v63  }
0x1a: {  	_ = 	snop  }
0x1b: {  	[tilespmem:s13], [sflag:$0x3] =	stream.linear.gather [hbm4b:s8+s5], $0x80, $0x38;
	[tilespmem:$0x10F00] =	vst v63  }
0x1c: {  	_ = 	snop  }
0x1d: {  	[tilespmem:s14], [sflag:$0x2] =	stream.linear.gather [hbm4b:s9+s5], $0x180, $0x38;
	[tilespmem:$0x10F00] =	vst v63  }
0x1e: {  	_ = 	snop  }
0x1f: {  	[tilespmem:s15], [sflag:$0x4] =	stream.linear.gather [hbm4b:s10+s5], $0x180, $0x38;
	[tilespmem:$0x10F00] =	vst v63  }
0x20: {  	_ =	swait.ge [sflag:s16], $0x80  }
0x21: {  	[sflag:s16] =	ssyncset.done $0x0  }
0x22: {  	[sflag:s16] =	ssyncadd.s32 $0xFFFFFF80  }
0x23: {  	_ =	swait.ge [sflag:s17], $0x80  }
0x24: {  	[sflag:s17] =	ssyncset.done $0x0  }
0x25: {  	s3 =	simm.s32 $0x400;
	[sflag:s17] =	ssyncadd.s32 $0xFFFFFF80  }
0x26: {  	[tilespmem:s3], [sflag:$0x1] =	stream.indirect.gather [hbm4b:s1+s14], $0x80, s5, s14, $0xb8;
	[tilespmem:$0x10F00] =	vst v63  }
0x27: {  	s24 =	simm.s32 $0x8400  }
0x28: {  	[tilespmem:s24], [sflag:$0x3] =	stream.indirect.gather [hbm4b:s2+s14], $0x80, s13, s14, $0xb8;
	[tilespmem:$0x10F00] =	vst v63  }
0x29: {  	_ =	swait.ge [sflag:s20], $0x180  }
0x2a: {  	[sflag:s20] =	ssyncset.done $0x0  }
0x2b: {  	[sflag:s20] =	ssyncadd.s32 $0xFFFFFE80  }
0x2c: {  	_ =	swait.ge [sflag:s21], $0x180  }
0x2d: {  	[sflag:s21] =	ssyncset.done $0x0  }
0x2e: {  	[sflag:s21] =	ssyncadd.s32 $0xFFFFFE80  }
0x2f: {  	[tilespmem:s22], [sflag:$0x2] =	stream.indirect.gather [hbm4b:s1+s14], $0x80, s14, s14, $0xb8;
	[tilespmem:$0x10F00] =	vst v63  }
0x30: {  	_ = 	snop  }
0x31: {  	[tilespmem:s23], [sflag:$0x4] =	stream.indirect.gather [hbm4b:s2+s14], $0x80, s15, s14, $0xb8;
	[tilespmem:$0x10F00] =	vst v63  }
0x32: {  	s4 =	simm.s32 $0x10400;
	s26 =	rddreg [dreg:$0x4]  }
0x33: {  	[tilespmem:s4], [sflag:$0x5] =	stream.linear.gather [hbm4b:s26+s5], $0x80, $0x38;
	[tilespmem:$0x10F00] =	vst v63  }
0x34: {  	_ =	swait.ge [sflag:s25], $0x80  }
0x35: {  	[sflag:s25] =	ssyncset.done $0x0  }
0x36: {  	s29 =	simm.s32 $0x10480;
	[sflag:s25] =	ssyncadd.s32 $0xFFFFFF80  }
0x37: {  	[tilespmem:s29], [sflag:$0x5] =	stream.linear.gather [hbm4b:s6+s5], $0x80, $0x38;
	[tilespmem:$0x10F00] =	vst v63  }
0x38: {  	_ =	swait.ge [sflag:s25], $0x80  }
0x39: {  	[sflag:s25] =	ssyncset.done $0x0  }
0x3a: {  	[sflag:s25] =	ssyncadd.s32 $0xFFFFFF80  }
0x3b: {  	v1 =	vld [tilespmem:$0x10400]  }
0x3c: {  	v2 =	vld [tilespmem:$0x10410]  }
0x3d: {  	v3 =	vld [tilespmem:$0x10420]  }
0x3e: {  	v4 =	vld [tilespmem:$0x10430]  }
0x3f: {  	v5 =	vld [tilespmem:$0x10440]  }
0x40: {  	v6 =	vld [tilespmem:$0x10450]  }
0x41: {  	v7 =	vld [tilespmem:$0x10460]  }
0x42: {  	v8 =	vld [tilespmem:$0x10470]  }
0x43: {  	p0 =	por $0x0, $0x0;
	s3 =	simm.s32 $0x0;
	v9 =	vld [tilespmem:$0x10480]  }
.LBB2_2:
0x44: {  	_ =	swait.ge [sflag:s16], $0x4000  }
0x45: {  	[sflag:s16] =	ssyncset.done $0x0  }
0x46: {  	[sflag:s16] =	ssyncadd.s32 $0xFFFFC000  }
0x47: {  	_ =	swait.ge [sflag:s17], $0x4000  }
0x48: {  	[sflag:s17] =	ssyncset.done $0x0  }
0x49: {  	s19 =	simm.s32 $0x480;
	[sflag:s17] =	ssyncadd.s32 $0xFFFFC000  }
0x4a: {  	v10 =	vld [tilespmem:s19+$0x20]  }
0x4b: {  	s18 =	simm.s32 $0x8480;
	v11 =	vld [tilespmem:s19+$0x0]  }
0x4c: {  	v12 =	vld [tilespmem:s18+$0x0]  }
0x4d: {  	v13 =	vld [tilespmem:s19+$0x10]  }
0x4e: {  	v14 =	vld [tilespmem:s18+$0x10]  }
0x4f: {  	v15 =	vld [tilespmem:s18+$0x20]  }
0x50: {  	v16 =	vld [tilespmem:s18+$0xFFFFFF80]  }
0x51: {  	v17 =	vld [tilespmem:s19+$0x30]  }
0x52: {  	v18 =	vld [tilespmem:s18+$0x30]  }
0x53: {  	v19 =	vld [tilespmem:s19+$0x40]  }
0x54: {  	v20 =	vld [tilespmem:s18+$0x40]  }
0x55: {  	v21 =	vld [tilespmem:s19+$0x50]  }
0x56: {  	v22 =	vld [tilespmem:s19+$0x70];
	v11 =	vmul.f32 v12, v11;
	v12 =	vmul.f32 v14, v13  }
0x57: {  	v13 =	vld [tilespmem:s18+$0x50];
	v10 =	vmul.f32 v15, v10  }
0x58: {  	v14 =	vld [tilespmem:s19+$0x60];
	v11 =	vmul.f32 v11, v1;
	v12 =	vmul.f32 v12, v2  }
0x59: {  	v15 =	vld [tilespmem:s18+$0x60]  }
0x5a: {  	v10 =	vmul.f32 v10, v3;
	v11 =	vadd.f32 v12, v11;
	v12 =	vmul.f32 v18, v17;
	v17 =	vld [tilespmem:s18+$0x70]  }
0x5b: {  	v18 =	vld [tilespmem:s19+$0xFFFFFF90]  }
0x5c: {  	v10 =	vadd.f32 v10, v11;
	v11 =	vmul.f32 v12, v4;
	v12 =	vmul.f32 v20, v19;
	v20 =	vld [tilespmem:s19+$0xFFFFFF80]  }
0x5d: {  	v19 =	vld [tilespmem:s18+$0xFFFFFF90]  }
0x5e: {  	v63 =	vld [tilespmem:s18+$0xFFFFFFA0];
	v10 =	vadd.f32 v11, v10;
	v11 =	vmul.f32 v12, v5;
	v12 =	vmul.f32 v13, v21  }
0x5f: {  	v13 =	vld [tilespmem:s19+$0xFFFFFFA0]  }
0x60: {  	v10 =	vadd.f32 v11, v10;
	v11 =	vmul.f32 v12, v6;
	v12 =	vmul.f32 v15, v14;
	v14 =	vld [tilespmem:s19+$0xFFFFFFB0]  }
0x61: {  	v15 =	vmul.f32 v17, v22;
	v17 =	vld [tilespmem:s18+$0xFFFFFFB0];
	v16 =	vmul.f32 v16, v20  }
0x62: {  	v10 =	vadd.f32 v11, v10;
	v11 =	vmul.f32 v12, v7;
	v12 =	vmul.f32 v19, v18;
	v18 =	vld [tilespmem:s19+$0xFFFFFFC0]  }
0x63: {  	v19 =	vld [tilespmem:s18+$0xFFFFFFC0];
	v16 =	vmul.f32 v16, v1  }
0x64: {  	v20 =	vmul.f32 v63, v13;
	v13 =	vld [tilespmem:s18+$0xFFFFFFD0];
	v12 =	vmul.f32 v12, v2  }
0x65: {  	v15 =	vmul.f32 v15, v8;
	v11 =	vadd.f32 v11, v10;
	v10 =	vld [tilespmem:s19+$0xFFFFFFD0]  }
0x66: {  	v20 =	vmul.f32 v20, v3;
	v17 =	vmul.f32 v17, v14;
	v14 =	vld [tilespmem:s18+$0xFFFFFFE0];
	v16 =	vadd.f32 v12, v16  }
0x67: {  	v15 =	vadd.f32 v15, v11;
	v11 =	vld [tilespmem:s19+$0xFFFFFFE0]  }
0x68: {  	s4 =	simm.s32 $0x10510;
	v12 =	vld [tilespmem:s19+$0xFFFFFFF0];
	v17 =	vmul.f32 v17, v4;
	v18 =	vmul.f32 v19, v18;
	v16 =	vadd.f32 v20, v16  }
0x69: {  	s24 =	simm.s32 $0x580;
	s19 =	simm.s32 $0x0;
	[tilespmem:s4+$0x0] =	vst v15;
	v15 =	vld [tilespmem:s18+$0xFFFFFFF0]  }
.LBB2_3:
0x6a: {  	v19 =	vld [tilespmem:s24+$0x20];
	v16 =	vadd.f32 v17, v16;
	v17 =	vmul.f32 v18, v5;
	v10 =	vmul.f32 v13, v10  }
0x6b: {  	s18 =	sadd.s32 $0x100, s18;
	v13 =	vld [tilespmem:s24+$0x0]  }
0x6c: {  	v18 =	vld [tilespmem:s18+$0x0];
	v16 =	vadd.f32 v17, v16;
	v10 =	vmul.f32 v10, v6;
	v11 =	vmul.f32 v14, v11  }
0x6d: {  	v14 =	vld [tilespmem:s24+$0x10]  }
0x6e: {  	s19 =	sadd.s32 $0x2, s19;
	v17 =	vld [tilespmem:s18+$0x10];
	v10 =	vadd.f32 v10, v16;
	v11 =	vmul.f32 v11, v7;
	v12 =	vmul.f32 v15, v12  }
0x6f: {  	p1 =	slt.u32 s19, $0x7E;
	v15 =	vld [tilespmem:s18+$0x20]  }
0x70: {  	v16 =	vld [tilespmem:s18+$0xFFFFFF80];
	v10 =	vadd.f32 v11, v10;
	v11 =	vmul.f32 v12, v8  }
0x71: {  	v12 =	vld [tilespmem:s24+$0x30]  }
0x72: {  	v20 =	vld [tilespmem:s18+$0x30];
	v10 =	vadd.f32 v11, v10  }
0x73: {  	v11 =	vmul.f32 v18, v13;
	v13 =	vmul.f32 v17, v14;
	v14 =	vld [tilespmem:s24+$0x40]  }
0x74: {  	v15 =	vmul.f32 v15, v19;
	v17 =	vld [tilespmem:s18+$0x40];
	[tilespmem:s4+$0xFFFFFFF0] =	vst v10  }
0x75: {  	v10 =	vmul.f32 v11, v1;
	v11 =	vmul.f32 v13, v2;
	v13 =	vld [tilespmem:s24+$0x50]  }
0x76: {  	v18 =	vld [tilespmem:s18+$0x50]  }
0x77: {  	v10 =	vadd.f32 v11, v10;
	v11 =	vmul.f32 v15, v3;
	v12 =	vmul.f32 v20, v12;
	v15 =	vld [tilespmem:s24+$0x60]  }
0x78: {  	v19 =	vld [tilespmem:s18+$0x60]  }
0x79: {  	v10 =	vadd.f32 v11, v10;
	v11 =	vmul.f32 v12, v4;
	v12 =	vmul.f32 v17, v14;
	v14 =	vld [tilespmem:s24+$0x70]  }
0x7a: {  	v17 =	vld [tilespmem:s18+$0x70]  }
0x7b: {  	v20 =	vld [tilespmem:s24+$0xFFFFFF90];
	v10 =	vadd.f32 v11, v10;
	v11 =	vmul.f32 v12, v5;
	v12 =	vmul.f32 v18, v13  }
0x7c: {  	v13 =	vld [tilespmem:s18+$0xFFFFFF90]  }
0x7d: {  	v18 =	vld [tilespmem:s24+$0xFFFFFF80];
	v10 =	vadd.f32 v11, v10;
	v11 =	vmul.f32 v12, v6;
	v12 =	vmul.f32 v19, v15  }
0x7e: {  	v15 =	vld [tilespmem:s24+$0xFFFFFFA0]  }
0x7f: {  	v19 =	vld [tilespmem:s18+$0xFFFFFFA0];
	v10 =	vadd.f32 v11, v10;
	v11 =	vmul.f32 v12, v7;
	v12 =	vmul.f32 v17, v14  }
0x80: {  	v14 =	vld [tilespmem:s24+$0xFFFFFFB0]  }
0x81: {  	v13 =	vmul.f32 v13, v20;
	v17 =	vld [tilespmem:s18+$0xFFFFFFB0];
	v10 =	vadd.f32 v11, v10;
	v11 =	vmul.f32 v12, v8  }
0x82: {  	v12 =	vmul.f32 v16, v18;
	v18 =	vld [tilespmem:s24+$0xFFFFFFC0]  }
0x83: {  	v16 =	vmul.f32 v13, v2;
	v20 =	vld [tilespmem:s18+$0xFFFFFFC0];
	v11 =	vadd.f32 v11, v10  }
0x84: {  	s4 =	sadd.s32 $0x20, s4;
	v12 =	vmul.f32 v12, v1;
	v15 =	vmul.f32 v19, v15;
	v10 =	vld [tilespmem:s24+$0xFFFFFFD0]  }
.Ltmp2:
0x85: {  	v13 =	vld [tilespmem:s18+$0xFFFFFFD0];
	[tilespmem:s4+$0x0] =	vst v11;
	(pc) =	sbr.rel @p1 .LBB2_3-.Ltmp2, $4  }
0x86: {  	v12 =	vadd.f32 v16, v12;
	v15 =	vmul.f32 v15, v3;
	v17 =	vmul.f32 v17, v14;
	v11 =	vld [tilespmem:s24+$0xFFFFFFE0]  }
0x87: {  	v14 =	vld [tilespmem:s18+$0xFFFFFFE0]  }
0x88: {  	v16 =	vadd.f32 v15, v12;
	v17 =	vmul.f32 v17, v4;
	v18 =	vmul.f32 v20, v18;
	v12 =	vld [tilespmem:s24+$0xFFFFFFF0]  }
0x89: {  	s24 =	sadd.s32 $0x100, s24;
	v15 =	vld [tilespmem:s18+$0xFFFFFFF0]  }
0x8a: {  	v16 =	vadd.f32 v17, v16;
	v17 =	vmul.f32 v18, v5;
	v10 =	vmul.f32 v13, v10;
	_ =	sdelay $0x1  }
0x8b: {  	v13 =	vadd.f32 v17, v16;
	v10 =	vmul.f32 v10, v6;
	v11 =	vmul.f32 v14, v11;
	_ =	sdelay $0x1  }
0x8c: {  	v10 =	vadd.f32 v10, v13;
	v11 =	vmul.f32 v11, v7;
	v12 =	vmul.f32 v15, v12;
	_ =	sdelay $0x1  }
0x8d: {  	v10 =	vadd.f32 v11, v10;
	v11 =	vmul.f32 v12, v8;
	_ =	sdelay $0x1  }
0x8e: {  	s24 =	simm.s32 $0x1;
	v10 =	vadd.f32 v11, v10  }
0x8f: {  	s19 =	simm.s32 $0x0;
	v11 =	vor.u32 s24, v0  }
0x90: {  	[tilespmem:s4+$0xFFFFFFF0] =	vst v10;
	v10 =	vor.u32 s19, v0  }
0x91: {  	s26 =	simm.s32 $0x2  }
0x92: {  	v12 =	vor.u32 s26, v0  }
0x93: {  	s29 =	simm.s32 $0x3  }
0x94: {  	v13 =	vor.u32 s29, v0;
	s26 =	simm.s32 $0x5;
	v11 =	vld.idx.msk [tilespmem:v11+s28+$0x0], $0xffff  }
0x95: {  	v15 =	vor.u32 s26, v0;
	s24 =	simm.s32 $0x4;
	v10 =	vld.idx.msk [tilespmem:v10+s28+$0x0], $0xffff  }
0x96: {  	s26 =	simm.s32 $0x9;
	v14 =	vor.u32 s24, v0  }
0x97: {  	s29 =	simm.s32 $0x6;
	v18 =	vor.u32 s26, v0;
	v12 =	vld.idx.msk [tilespmem:v12+s28+$0x0], $0xffff  }
0x98: {  	v16 =	vor.u32 s29, v0;
	s26 =	simm.s32 $0xA  }
0x99: {  	s24 =	simm.s32 $0x7;
	v20 =	vor.u32 s26, v0;
	v13 =	vld.idx.msk [tilespmem:v13+s28+$0x0], $0xffff  }
0x9a: {  	s26 =	simm.s32 $0xB;
	v17 =	vor.u32 s24, v0;
	v15 =	vld.idx.msk [tilespmem:v15+s28+$0x0], $0xffff;
	v10 =	vadd.f32 v11, v10  }
0x9b: {  	s29 =	simm.s32 $0x100;
	s24 =	simm.s32 $0x8;
	v21 =	vor.u32 s26, v0;
	v11 =	vld.idx.msk [tilespmem:v14+s28+$0x0], $0xffff  }
0x9c: {  	v19 =	vor.u32 s29, v0;
	v18 =	vld.idx.msk [tilespmem:v18+s28+$0x0], $0xffff;
	v14 =	vor.u32 s24, v0;
	s24 =	simm.s32 $0x101;
	v10 =	vadd.f32 v12, v10  }
0x9d: {  	v12 =	vld.idx.msk [tilespmem:v16+s28+$0x0], $0xffff;
	v16 =	vor.u32 s24, v0  }
0x9e: {  	s29 =	simm.s32 $0x102;
	v20 =	vld.idx.msk [tilespmem:v20+s28+$0x0], $0xffff;
	v10 =	vadd.f32 v13, v10  }
0x9f: {  	s26 =	simm.s32 $0xC;
	v17 =	vld.idx.msk [tilespmem:v17+s28+$0x0], $0xffff;
	v13 =	vor.u32 s29, v0  }
0xa0: {  	v22 =	vor.u32 s26, v0;
	v21 =	vld.idx.msk [tilespmem:v21+s28+$0x0], $0xffff;
	s29 =	simm.s32 $0x103;
	v10 =	vadd.f32 v11, v10  }
0xa1: {  	s26 =	simm.s32 $0xD;
	v11 =	vld.idx.msk [tilespmem:v19+s28+$0x0], $0xffff;
	v19 =	vor.u32 s29, v0  }
0xa2: {  	v23 =	vor.u32 s26, v0;
	s29 =	simm.s32 $0x104;
	v16 =	vld.idx.msk [tilespmem:v16+s28+$0x0], $0xffff;
	v10 =	vadd.f32 v15, v10  }
0xa3: {  	s24 =	simm.s32 $0xE;
	v14 =	vld.idx.msk [tilespmem:v14+s28+$0x0], $0xffff;
	v15 =	vor.u32 s29, v0  }
0xa4: {  	v24 =	vor.u32 s24, v0;
	s29 =	simm.s32 $0x105;
	v13 =	vld.idx.msk [tilespmem:v13+s28+$0x0], $0xffff;
	v10 =	vadd.f32 v12, v10  }
0xa5: {  	s26 =	simm.s32 $0x106;
	v22 =	vld.idx.msk [tilespmem:v22+s28+$0x0], $0xffff;
	v12 =	vor.u32 s29, v0  }
0xa6: {  	s18 =	simm.s32 $0xF;
	v19 =	vld.idx.msk [tilespmem:v19+s28+$0x0], $0xffff;
	v10 =	vadd.f32 v17, v10;
	v17 =	vor.u32 s26, v0  }
0xa7: {  	v23 =	vld.idx.msk [tilespmem:v23+s28+$0x0], $0xffff;
	s29 =	simm.s32 $0x107;
	v11 =	vadd.f32 v16, v11;
	v16 =	vor.u32 s18, v0  }
0xa8: {  	s24 =	simm.s32 $0x109;
	v15 =	vld.idx.msk [tilespmem:v15+s28+$0x0], $0xffff;
	v10 =	vadd.f32 v14, v10;
	v14 =	vor.u32 s29, v0  }
0xa9: {  	v24 =	vld.idx.msk [tilespmem:v24+s28+$0x0], $0xffff;
	s26 =	simm.s32 $0x108;
	v11 =	vadd.f32 v13, v11;
	v13 =	vor.u32 s24, v0  }
0xaa: {  	s29 =	simm.s32 $0x200;
	v12 =	vld.idx.msk [tilespmem:v12+s28+$0x0], $0xffff;
	v10 =	vadd.f32 v18, v10;
	v18 =	vor.u32 s26, v0  }
0xab: {  	s24 =	simm.s32 $0x201;
	v11 =	vadd.f32 v19, v11;
	v19 =	vor.u32 s29, v0;
	v17 =	vld.idx.msk [tilespmem:v17+s28+$0x0], $0xffff  }
0xac: {  	s26 =	simm.s32 $0x10A;
	v16 =	vld.idx.msk [tilespmem:v16+s28+$0x0], $0xffff;
	v10 =	vadd.f32 v20, v10;
	v20 =	vor.u32 s24, v0  }
0xad: {  	s29 =	simm.s32 $0x202;
	v11 =	vadd.f32 v15, v11;
	v15 =	vor.u32 s26, v0;
	v14 =	vld.idx.msk [tilespmem:v14+s28+$0x0], $0xffff  }
0xae: {  	s19 =	simm.s32 $0x10B;
	v13 =	vld.idx.msk [tilespmem:v13+s28+$0x0], $0xffff;
	v10 =	vadd.f32 v21, v10;
	v21 =	vor.u32 s29, v0  }
0xaf: {  	s24 =	simm.s32 $0x203;
	v11 =	vadd.f32 v12, v11;
	v12 =	vld.idx.msk [tilespmem:v18+s28+$0x0], $0xffff;
	v18 =	vor.u32 s19, v0  }
0xb0: {  	s26 =	simm.s32 $0x10C;
	v19 =	vld.idx.msk [tilespmem:v19+s28+$0x0], $0xffff;
	v10 =	vadd.f32 v22, v10;
	v22 =	vor.u32 s24, v0  }
0xb1: {  	s19 =	simm.s32 $0x10D;
	v11 =	vadd.f32 v17, v11;
	v17 =	vor.u32 s26, v0;
	v20 =	vld.idx.msk [tilespmem:v20+s28+$0x0], $0xffff  }
0xb2: {  	s29 =	simm.s32 $0x204;
	v25 =	vor.u32 s19, v0;
	v15 =	vld.idx.msk [tilespmem:v15+s28+$0x0], $0xffff;
	v10 =	vadd.f32 v23, v10  }
0xb3: {  	s24 =	simm.s32 $0x205;
	v23 =	vor.u32 s29, v0;
	v11 =	vadd.f32 v14, v11;
	v21 =	vld.idx.msk [tilespmem:v21+s28+$0x0], $0xffff  }
0xb4: {  	s26 =	simm.s32 $0x10E;
	v63 =	vor.u32 s24, v0;
	v10 =	vadd.f32 v24, v10;
	v26 =	vld.idx.msk [tilespmem:v18+s28+$0x0], $0xffff  }
0xb5: {  	s29 =	simm.s32 $0x206;
	v11 =	vadd.f32 v12, v11;
	v12 =	vor.u32 s26, v0;
	v18 =	vld.idx.msk [tilespmem:v22+s28+$0x0], $0xffff  }
0xb6: {  	s19 =	simm.s32 $0x10F;
	v27 =	vor.u32 s29, v0;
	v16 =	vadd.f32 v16, v10;
	v10 =	vld.idx.msk [tilespmem:v17+s28+$0x0], $0xffff  }
0xb7: {  	s24 =	simm.s32 $0x207;
	v17 =	vadd.f32 v20, v19;
	v13 =	vadd.f32 v13, v11;
	v11 =	vld.idx.msk [tilespmem:v25+s28+$0x0], $0xffff;
	v19 =	vor.u32 s19, v0  }
0xb8: {  	s29 =	simm.s32 $0x209;
	v20 =	vor.u32 s24, v0;
	v14 =	vld.idx.msk [tilespmem:v23+s28+$0x0], $0xffff;
	v22 =	vadd.f32 v16, v9  }
0xb9: {  	s4 =	sshra.s32 s3, $0x2;
	s26 =	simm.s32 $0x208;
	v21 =	vadd.f32 v21, v17;
	v16 =	vld.idx.msk [tilespmem:v63+s28+$0x0], $0xffff;
	v13 =	vadd.f32 v15, v13;
	v15 =	vor.u32 s29, v0  }
0xba: {  	s3 =	sadd.s32 $0x10D00, s4;
	s18 =	simm.s32 $0x20F;
	s29 =	simm.s32 $0x300;
	v17 =	vor.u32 s26, v0;
	v12 =	vld.idx.msk [tilespmem:v12+s28+$0x0], $0xffff  }
0xbb: {  	s19 =	simm.s32 $0x30F;
	s24 =	simm.s32 $0x40F;
	s26 =	simm.s32 $0x301;
	[tilespmem:s3+$0x0] =	vst v22;
	v22 =	vor.u32 s29, v0;
	v21 =	vadd.f32 v18, v21;
	v18 =	vld.idx.msk [tilespmem:v27+s28+$0x0], $0xffff;
	v13 =	vadd.f32 v26, v13  }
.LBB2_5:
0xbc: {  	p1 =	sne.s32 s24, $0x70F;
	v23 =	vor.u32 s26, v0;
	s26 =	sadd.s32 $0xFFFFFFFB, s18;
	v19 =	vld.idx.msk [tilespmem:v19+s28+$0x0], $0xffff  }
0xbd: {  	s29 =	sadd.s32 $0xFFFFFFF3, s19;
	v14 =	vadd.f32 v14, v21;
	v20 =	vld.idx.msk [tilespmem:v20+s28+$0x0], $0xffff;
	v21 =	vor.u32 s26, v0;
	v10 =	vadd.f32 v10, v13  }
0xbe: {  	v13 =	vor.u32 s29, v0;
	s26 =	sadd.s32 $0xFFFFFFFC, s18;
	v15 =	vld.idx.msk [tilespmem:v15+s28+$0x0], $0xffff  }
0xbf: {  	s29 =	sadd.s32 $0xFFFFFFF4, s19;
	v14 =	vadd.f32 v16, v14;
	v16 =	vld.idx.msk [tilespmem:v17+s28+$0x0], $0xffff;
	v17 =	vor.u32 s26, v0;
	v10 =	vadd.f32 v11, v10  }
0xc0: {  	s26 =	sadd.s32 $0xFFFFFFFD, s18;
	v11 =	vld.idx.msk [tilespmem:v22+s28+$0x0], $0xffff;
	v22 =	vor.u32 s29, v0  }
0xc1: {  	s29 =	sadd.s32 $0xFFFFFFF5, s19;
	v23 =	vld.idx.msk [tilespmem:v23+s28+$0x0], $0xffff;
	v14 =	vadd.f32 v18, v14;
	v18 =	vor.u32 s26, v0;
	v10 =	vadd.f32 v12, v10  }
0xc2: {  	v12 =	vor.u32 s29, v0;
	s26 =	sadd.s32 $0xFFFFFFFE, s18;
	v21 =	vld.idx.msk [tilespmem:v21+s28+$0x0], $0xffff  }
0xc3: {  	s29 =	sadd.s32 $0xFFFFFFF6, s19;
	v24 =	vor.u32 s26, v0;
	v13 =	vld.idx.msk [tilespmem:v13+s28+$0x0], $0xffff;
	v14 =	vadd.f32 v20, v14;
	v10 =	vadd.f32 v19, v10  }
0xc4: {  	v25 =	vor.u32 s29, v0;
	s26 =	sadd.s32 $0xFFFFFFFF, s18;
	v26 =	vld.idx.msk [tilespmem:v17+s28+$0x0], $0xffff  }
0xc5: {  	s29 =	sadd.s32 $0xFFFFFFF7, s19;
	v27 =	vld.idx.msk [tilespmem:v22+s28+$0x0], $0xffff;
	v16 =	vadd.f32 v16, v14;
	v22 =	vor.u32 s26, v0;
	v17 =	vadd.f32 v10, v9  }
0xc6: {  	s3 =	sadd.s32 $0x10, s3;
	v28 =	vor.u32 s29, v0;
	v10 =	vld.idx.msk [tilespmem:v18+s28+$0x0], $0xffff  }
.Ltmp3:
0xc7: {  	v19 =	vor.u32 s18, v0;
	s18 =	smov.u32 s19;
	s26 =	sadd.s32 $0xFFFFFFF8, s19;
	v18 =	vadd.f32 v23, v11;
	v14 =	vld.idx.msk [tilespmem:v12+s28+$0x0], $0xffff;
	v12 =	vadd.f32 v15, v16;
	[tilespmem:s3+$0x0] =	vst v17;
	(pc) =	sbr.rel @p1 .LBB2_5-.Ltmp3, $4  }
0xc8: {  	s19 =	smov.u32 s24;
	v20 =	vor.u32 s26, v0;
	s26 =	sadd.s32 $0xFFFFFFFA, s18;
	v11 =	vld.idx.msk [tilespmem:v24+s28+$0x0], $0xffff  }
0xc9: {  	s29 =	sadd.s32 $0xFFFFFFF9, s18;
	v15 =	vor.u32 s26, v0;
	v13 =	vadd.f32 v13, v18;
	v16 =	vld.idx.msk [tilespmem:v25+s28+$0x0], $0xffff;
	v23 =	vadd.f32 v21, v12  }
0xca: {  	s26 =	sadd.s32 $0xFFFFFFF1, s24;
	v17 =	vor.u32 s29, v0;
	v12 =	vld.idx.msk [tilespmem:v22+s28+$0x0], $0xffff  }
0xcb: {  	s24 =	sadd.s32 $0x100, s24;
	v22 =	vor.u32 s26, v0;
	s26 =	sadd.s32 $0xFFFFFFF2, s19;
	v21 =	vadd.f32 v27, v13;
	v18 =	vld.idx.msk [tilespmem:v28+s28+$0x0], $0xffff;
	v13 =	vadd.f32 v26, v23  }
0xcc: {  	v23 =	vor.u32 s26, v0  }
0xcd: {  	s24 =	sadd.s32 $0xFFFFFFF3, s19  }
0xce: {  	v24 =	vor.u32 s24, v0  }
0xcf: {  	s26 =	sadd.s32 $0xFFFFFFF4, s19  }
0xd0: {  	v22 =	vld.idx.msk [tilespmem:v22+s28+$0x0], $0xffff;
	v25 =	vor.u32 s26, v0  }
0xd1: {  	s29 =	sadd.s32 $0xFFFFFFF5, s19;
	v23 =	vld.idx.msk [tilespmem:v23+s28+$0x0], $0xffff  }
0xd2: {  	v26 =	vor.u32 s29, v0  }
0xd3: {  	s26 =	sadd.s32 $0xFFFFFFF6, s19;
	v24 =	vld.idx.msk [tilespmem:v24+s28+$0x0], $0xffff  }
0xd4: {  	v27 =	vor.u32 s26, v0  }
0xd5: {  	s29 =	sadd.s32 $0xFFFFFFF7, s19;
	v25 =	vld.idx.msk [tilespmem:v25+s28+$0x0], $0xffff  }
0xd6: {  	v47 =	vor.u32 s29, v0;
	v22 =	vadd.f32 v23, v22  }
0xd7: {  	s26 =	sadd.s32 $0xFFFFFFF8, s19;
	v26 =	vld.idx.msk [tilespmem:v26+s28+$0x0], $0xffff  }
0xd8: {  	v48 =	vor.u32 s26, v0;
	v22 =	vadd.f32 v24, v22  }
0xd9: {  	s29 =	sadd.s32 $0xFFFFFFF9, s19;
	v27 =	vld.idx.msk [tilespmem:v27+s28+$0x0], $0xffff  }
0xda: {  	v19 =	vld.idx.msk [tilespmem:v19+s28+$0x0], $0xffff;
	v49 =	vor.u32 s29, v0;
	v22 =	vadd.f32 v25, v22  }
0xdb: {  	v14 =	vadd.f32 v14, v21;
	s26 =	sadd.s32 $0xFFFFFFFA, s19;
	v50 =	vld.idx.msk [tilespmem:v47+s28+$0x0], $0xffff  }
0xdc: {  	v20 =	vld.idx.msk [tilespmem:v20+s28+$0x0], $0xffff;
	s29 =	sadd.s32 $0xFFFFFFFB, s18;
	v51 =	vor.u32 s26, v0;
	v22 =	vadd.f32 v26, v22  }
0xdd: {  	v14 =	vadd.f32 v16, v14;
	v16 =	vor.u32 s29, v0;
	s26 =	sadd.s32 $0xFFFFFFFB, s19;
	v24 =	vld.idx.msk [tilespmem:v48+s28+$0x0], $0xffff  }
0xde: {  	v17 =	vld.idx.msk [tilespmem:v17+s28+$0x0], $0xffff;
	s29 =	sadd.s32 $0xFFFFFFFC, s18;
	v52 =	vor.u32 s26, v0;
	v22 =	vadd.f32 v27, v22  }
0xdf: {  	v14 =	vadd.f32 v18, v14;
	v18 =	vor.u32 s29, v0;
	s26 =	sadd.s32 $0xFFFFFFFC, s19;
	v25 =	vld.idx.msk [tilespmem:v49+s28+$0x0], $0xffff  }
0xe0: {  	v15 =	vld.idx.msk [tilespmem:v15+s28+$0x0], $0xffff;
	s29 =	sadd.s32 $0xFFFFFFFD, s18;
	v53 =	vor.u32 s26, v0;
	v21 =	vadd.f32 v50, v22  }
0xe1: {  	v54 =	vor.u32 s29, v0;
	s26 =	sadd.s32 $0xFFFFFFFD, s19;
	v14 =	vadd.f32 v20, v14;
	v23 =	vld.idx.msk [tilespmem:v51+s28+$0x0], $0xffff  }
0xe2: {  	s29 =	sadd.s32 $0xFFFFFFFE, s18;
	v55 =	vor.u32 s26, v0;
	v16 =	vld.idx.msk [tilespmem:v16+s28+$0x0], $0xffff;
	v21 =	vadd.f32 v24, v21  }
0xe3: {  	s26 =	sadd.s32 $0xFFFFFFFE, s19;
	v14 =	vadd.f32 v17, v14;
	v17 =	vor.u32 s29, v0;
	v26 =	vld.idx.msk [tilespmem:v52+s28+$0x0], $0xffff  }
0xe4: {  	v56 =	vor.u32 s26, v0;
	s29 =	sadd.s32 $0xFFFFFFFF, s18;
	v18 =	vld.idx.msk [tilespmem:v18+s28+$0x0], $0xffff;
	v21 =	vadd.f32 v25, v21  }
0xe5: {  	v14 =	vadd.f32 v15, v14;
	v15 =	vor.u32 s29, v0;
	s29 =	sadd.s32 $0xFFFFFFFF, s19;
	v22 =	vld.idx.msk [tilespmem:v53+s28+$0x0], $0xffff  }
0xe6: {  	v20 =	vld.idx.msk [tilespmem:v54+s28+$0x0], $0xffff;
	v57 =	vor.u32 s29, v0;
	v21 =	vadd.f32 v23, v21  }
0xe7: {  	v14 =	vadd.f32 v16, v14;
	v16 =	vor.u32 s18, v0;
	v24 =	vld.idx.msk [tilespmem:v55+s28+$0x0], $0xffff  }
0xe8: {  	v58 =	vor.u32 s19, v0;
	v17 =	vld.idx.msk [tilespmem:v17+s28+$0x0], $0xffff;
	v21 =	vadd.f32 v26, v21  }
0xe9: {  	v14 =	vadd.f32 v18, v14;
	v18 =	vld.idx.msk [tilespmem:v56+s28+$0x0], $0xffff  }
0xea: {  	v10 =	vadd.f32 v10, v13;
	v13 =	vld.idx.msk [tilespmem:v15+s28+$0x0], $0xffff;
	v15 =	vadd.f32 v22, v21  }
0xeb: {  	v59 =	vld.idx.msk [tilespmem:v57+s28+$0x0], $0xffff;
	v14 =	vadd.f32 v20, v14  }
0xec: {  	v10 =	vadd.f32 v11, v10;
	v11 =	vld.idx.msk [tilespmem:v16+s28+$0x0], $0xffff;
	v15 =	vadd.f32 v24, v15  }
0xed: {  	v16 =	vld.idx.msk [tilespmem:v58+s28+$0x0], $0xffff;
	v14 =	vadd.f32 v17, v14  }
0xee: {  	v10 =	vadd.f32 v12, v10;
	v12 =	vadd.f32 v18, v15  }
0xef: {  	v13 =	vadd.f32 v13, v14  }
0xf0: {  	v10 =	vadd.f32 v19, v10;
	v12 =	vadd.f32 v59, v12  }
0xf1: {  	v11 =	vadd.f32 v11, v13  }
0xf2: {  	v10 =	vadd.f32 v10, v9;
	v12 =	vadd.f32 v16, v12  }
0xf3: {  	s3 =	sadd.s32 $0x10, s3;
	v11 =	vadd.f32 v11, v9  }
0xf4: {  	[tilespmem:s3+$0x0] =	vst v10;
	s3 =	sadd.s32 $0x10, s3;
	v10 =	vadd.f32 v12, v9  }
0xf5: {  	[tilespmem:s3+$0x0] =	vst v11;
	s3 =	sadd.s32 $0x10, s3  }
0xf6: {  	s19 =	simm.s32 @!p0 $0x400;
	s18 =	simm.s32 @!p0 $0x100;
	[tilespmem:s3+$0x0] =	vst v10;
	s3 =	simm.s32 @!p0 $0x80  }
0xf7: {  	[tilespmem:s19], [sflag:$0x1] =	stream.indirect.gather @!p0 [hbm4b:s1+s3], $0x80, s18, s3, $0xb8;
	[tilespmem:$0x10F00] =	vst v63  }
0xf8: {  	s18 =	simm.s32 @!p0 $0x300;
	s19 =	simm.s32 @!p0 $0x8400  }
0xf9: {  	[tilespmem:s19], [sflag:$0x3] =	stream.indirect.gather @!p0 [hbm4b:s2+s3], $0x80, s18, s3, $0xb8;
	[tilespmem:$0x10F00] =	vst v63  }
0xfa: {  	_ =	swait.ge [sflag:s20], $0x4000  }
0xfb: {  	[sflag:s20] =	ssyncset.done $0x0  }
0xfc: {  	[sflag:s20] =	ssyncadd.s32 $0xFFFFC000  }
0xfd: {  	_ =	swait.ge [sflag:s21], $0x4000  }
0xfe: {  	[sflag:s21] =	ssyncset.done $0x0  }
0xff: {  	s18 =	simm.s32 $0x0;
	[sflag:s21] =	ssyncadd.s32 $0xFFFFC000  }
0x100: {  	v10 =	vld [tilespmem:s18+$0x44A0]  }
0x101: {  	v11 =	vld [tilespmem:s18+$0x4480]  }
0x102: {  	v12 =	vld [tilespmem:s18+$0xC480]  }
0x103: {  	v13 =	vld [tilespmem:s18+$0x4490]  }
0x104: {  	v14 =	vld [tilespmem:s18+$0xC490]  }
0x105: {  	v15 =	vld [tilespmem:s18+$0xC4A0]  }
0x106: {  	v16 =	vld [tilespmem:s18+$0x4400]  }
0x107: {  	v17 =	vld [tilespmem:s18+$0x44B0]  }
0x108: {  	v18 =	vld [tilespmem:s18+$0xC4B0]  }
0x109: {  	v19 =	vld [tilespmem:s18+$0x44C0]  }
0x10a: {  	v60 =	vld [tilespmem:s18+$0xC4C0]  }
0x10b: {  	v61 =	vld [tilespmem:s18+$0xC4E0];
	v11 =	vmul.f32 v12, v11;
	v12 =	vmul.f32 v14, v13  }
0x10c: {  	v62 =	vld [tilespmem:s18+$0x4410];
	v10 =	vmul.f32 v15, v10  }
0x10d: {  	v13 =	vld [tilespmem:s18+$0x44D0];
	v11 =	vmul.f32 v11, v1;
	v12 =	vmul.f32 v12, v2  }
0x10e: {  	v14 =	vld [tilespmem:s18+$0xC4D0]  }
0x10f: {  	v15 =	vld [tilespmem:s18+$0x44E0];
	v10 =	vmul.f32 v10, v3;
	v11 =	vadd.f32 v12, v11;
	v12 =	vmul.f32 v18, v17  }
0x110: {  	v17 =	vld [tilespmem:s18+$0x44F0]  }
0x111: {  	v18 =	vld [tilespmem:s18+$0xC4F0];
	v10 =	vadd.f32 v10, v11;
	v11 =	vmul.f32 v12, v4;
	v12 =	vmul.f32 v60, v19  }
0x112: {  	v19 =	vld [tilespmem:s18+$0xC400]  }
0x113: {  	v10 =	vadd.f32 v11, v10;
	v11 =	vmul.f32 v12, v5;
	v12 =	vmul.f32 v14, v13;
	v13 =	vld [tilespmem:s18+$0xC410]  }
0x114: {  	v14 =	vmul.f32 v61, v15;
	v15 =	vld [tilespmem:s18+$0x4420]  }
0x115: {  	v10 =	vadd.f32 v11, v10;
	v11 =	vmul.f32 v12, v6;
	v12 =	vld [tilespmem:s18+$0xC420]  }
0x116: {  	v63 =	vld [tilespmem:s18+$0x4430];
	v14 =	vmul.f32 v14, v7  }
0x117: {  	v16 =	vmul.f32 v19, v16;
	v10 =	vadd.f32 v11, v10;
	v11 =	vmul.f32 v18, v17;
	v17 =	vld [tilespmem:s18+$0xC430]  }
0x118: {  	v19 =	vld [tilespmem:s18+$0xC440];
	v13 =	vmul.f32 v13, v62  }
0x119: {  	v18 =	vld [tilespmem:s18+$0x4440];
	v16 =	vmul.f32 v16, v1;
	v14 =	vadd.f32 v14, v10;
	v11 =	vmul.f32 v11, v8  }
0x11a: {  	v10 =	vld [tilespmem:s18+$0x4450];
	v13 =	vmul.f32 v13, v2;
	v12 =	vmul.f32 v12, v15  }
0x11b: {  	v15 =	vadd.f32 v11, v14;
	v11 =	vld [tilespmem:s18+$0xC450]  }
0x11c: {  	v14 =	vld [tilespmem:s18+$0xC460];
	v13 =	vadd.f32 v13, v16;
	v16 =	vmul.f32 v12, v3;
	v17 =	vmul.f32 v17, v63  }
0x11d: {  	s3 =	simm.s32 $0x10510;
	v12 =	vld [tilespmem:s18+$0x4460]  }
0x11e: {  	s24 =	simm.s32 $0x400;
	s19 =	simm.s32 $0x0;
	[tilespmem:s3+$0x0] =	vst v15;
	v15 =	vadd.f32 v16, v13;
	v16 =	vmul.f32 v17, v4;
	v17 =	vmul.f32 v19, v18;
	v13 =	vld [tilespmem:s18+$0x4470]  }
.LBB2_7:
0x11f: {  	v18 =	vld [tilespmem:s18+$0xC470];
	s18 =	sshra.s32 s24, $0x2  }
0x120: {  	v19 =	vld [tilespmem:s18+$0x44A0];
	v15 =	vadd.f32 v16, v15;
	v16 =	vmul.f32 v17, v5;
	v10 =	vmul.f32 v11, v10  }
0x121: {  	v11 =	vld [tilespmem:s18+$0x4480]  }
0x122: {  	v17 =	vld [tilespmem:s18+$0xC480];
	v15 =	vadd.f32 v16, v15;
	v10 =	vmul.f32 v10, v6;
	v12 =	vmul.f32 v14, v12  }
0x123: {  	s19 =	sadd.s32 $0x2, s19;
	v14 =	vld [tilespmem:s18+$0x4490]  }
0x124: {  	p1 =	slt.u32 s19, $0x7E;
	v16 =	vld [tilespmem:s18+$0xC490];
	v10 =	vadd.f32 v10, v15;
	v12 =	vmul.f32 v12, v7;
	v13 =	vmul.f32 v18, v13  }
0x125: {  	v15 =	vld [tilespmem:s18+$0xC4A0]  }
0x126: {  	v18 =	vld [tilespmem:s18+$0x4400];
	v10 =	vadd.f32 v12, v10;
	v12 =	vmul.f32 v13, v8  }
0x127: {  	v13 =	vld [tilespmem:s18+$0x44B0]  }
0x128: {  	v20 =	vld [tilespmem:s18+$0xC4B0];
	v10 =	vadd.f32 v12, v10  }
0x129: {  	v11 =	vmul.f32 v17, v11;
	v12 =	vmul.f32 v16, v14;
	v14 =	vld [tilespmem:s18+$0x44C0]  }
0x12a: {  	v15 =	vmul.f32 v15, v19;
	v16 =	vld [tilespmem:s18+$0xC4C0];
	[tilespmem:s3+$0xFFFFFFF0] =	vst v10  }
0x12b: {  	v10 =	vmul.f32 v11, v1;
	v11 =	vmul.f32 v12, v2;
	v12 =	vld [tilespmem:s18+$0x44D0]  }
0x12c: {  	v17 =	vld [tilespmem:s18+$0xC4D0]  }
0x12d: {  	v10 =	vadd.f32 v11, v10;
	v11 =	vmul.f32 v15, v3;
	v13 =	vmul.f32 v20, v13;
	v15 =	vld [tilespmem:s18+$0x44E0]  }
0x12e: {  	v19 =	vld [tilespmem:s18+$0xC4E0]  }
0x12f: {  	v10 =	vadd.f32 v11, v10;
	v11 =	vmul.f32 v13, v4;
	v13 =	vmul.f32 v16, v14;
	v14 =	vld [tilespmem:s18+$0x44F0]  }
0x130: {  	v16 =	vld [tilespmem:s18+$0xC4F0]  }
0x131: {  	v20 =	vld [tilespmem:s18+$0xC400];
	v10 =	vadd.f32 v11, v10;
	v11 =	vmul.f32 v13, v5;
	v12 =	vmul.f32 v17, v12  }
0x132: {  	v13 =	vld [tilespmem:s18+$0x4410]  }
0x133: {  	v17 =	vld [tilespmem:s18+$0xC410];
	v10 =	vadd.f32 v11, v10;
	v11 =	vmul.f32 v12, v6;
	v12 =	vmul.f32 v19, v15  }
0x134: {  	v15 =	vld [tilespmem:s18+$0x4420]  }
0x135: {  	v19 =	vld [tilespmem:s18+$0xC420];
	v10 =	vadd.f32 v11, v10;
	v11 =	vmul.f32 v12, v7;
	v12 =	vmul.f32 v16, v14  }
0x136: {  	v14 =	vmul.f32 v20, v18;
	v16 =	vld [tilespmem:s18+$0x4430]  }
0x137: {  	v18 =	vld [tilespmem:s18+$0xC430];
	v10 =	vadd.f32 v11, v10;
	v11 =	vmul.f32 v12, v8  }
0x138: {  	v12 =	vmul.f32 v14, v1;
	v13 =	vmul.f32 v17, v13;
	v17 =	vld [tilespmem:s18+$0x4440]  }
0x139: {  	v20 =	vld [tilespmem:s18+$0xC440];
	v14 =	vadd.f32 v11, v10  }
.Ltmp4:
0x13a: {  	s3 =	sadd.s32 $0x20, s3;
	v13 =	vmul.f32 v13, v2;
	v15 =	vmul.f32 v19, v15;
	v10 =	vld [tilespmem:s18+$0x4450];
	(pc) =	sbr.rel @p1 .LBB2_7-.Ltmp4, $4  }
0x13b: {  	v11 =	vld [tilespmem:s18+$0xC450];
	[tilespmem:s3+$0x0] =	vst v14  }
0x13c: {  	v13 =	vadd.f32 v13, v12;
	v15 =	vmul.f32 v15, v3;
	v16 =	vmul.f32 v18, v16;
	v12 =	vld [tilespmem:s18+$0x4460]  }
0x13d: {  	v14 =	vld [tilespmem:s18+$0xC460]  }
0x13e: {  	s24 =	sadd.s32 $0x400, s24;
	v15 =	vadd.f32 v15, v13;
	v16 =	vmul.f32 v16, v4;
	v17 =	vmul.f32 v20, v17;
	v13 =	vld [tilespmem:s18+$0x4470]  }
0x13f: {  	v18 =	vld [tilespmem:s18+$0xC470]  }
0x140: {  	v15 =	vadd.f32 v16, v15;
	v16 =	vmul.f32 v17, v5;
	v10 =	vmul.f32 v11, v10;
	_ =	sdelay $0x1  }
0x141: {  	v11 =	vadd.f32 v16, v15;
	v10 =	vmul.f32 v10, v6;
	v12 =	vmul.f32 v14, v12;
	_ =	sdelay $0x1  }
0x142: {  	v10 =	vadd.f32 v10, v11;
	v11 =	vmul.f32 v12, v7;
	v12 =	vmul.f32 v18, v13;
	_ =	sdelay $0x1  }
0x143: {  	v10 =	vadd.f32 v11, v10;
	v11 =	vmul.f32 v12, v8;
	_ =	sdelay $0x1  }
0x144: {  	s29 =	simm.s32 $0x1;
	v10 =	vadd.f32 v11, v10  }
0x145: {  	s26 =	simm.s32 $0x0;
	v11 =	vor.u32 s29, v0  }
0x146: {  	[tilespmem:s3+$0xFFFFFFF0] =	vst v10;
	v10 =	vor.u32 s26, v0  }
0x147: {  	s19 =	simm.s32 $0x2  }
0x148: {  	v12 =	vor.u32 s19, v0  }
0x149: {  	s24 =	simm.s32 $0x3  }
0x14a: {  	v13 =	vor.u32 s24, v0;
	s24 =	simm.s32 $0x7;
	v11 =	vld.idx.msk [tilespmem:v11+s28+$0x0], $0xffff  }
0x14b: {  	v17 =	vor.u32 s24, v0;
	s26 =	simm.s32 $0x4;
	v10 =	vld.idx.msk [tilespmem:v10+s28+$0x0], $0xffff  }
0x14c: {  	s29 =	simm.s32 $0x5;
	v14 =	vor.u32 s26, v0  }
0x14d: {  	s19 =	simm.s32 $0x6;
	v15 =	vor.u32 s29, v0;
	v12 =	vld.idx.msk [tilespmem:v12+s28+$0x0], $0xffff  }
0x14e: {  	v16 =	vor.u32 s19, v0;
	s26 =	simm.s32 $0x9  }
0x14f: {  	v13 =	vld.idx.msk [tilespmem:v13+s28+$0x0], $0xffff;
	v18 =	vor.u32 s26, v0;
	s26 =	simm.s32 $0xA  }
0x150: {  	v17 =	vld.idx.msk [tilespmem:v17+s28+$0x0], $0xffff;
	v20 =	vor.u32 s26, v0;
	s26 =	simm.s32 $0xC;
	v10 =	vadd.f32 v11, v10  }
0x151: {  	s29 =	simm.s32 $0x100;
	v22 =	vor.u32 s26, v0;
	v11 =	vld.idx.msk [tilespmem:v14+s28+$0x0], $0xffff  }
0x152: {  	s24 =	simm.s32 $0x101;
	v19 =	vor.u32 s29, v0;
	v15 =	vld.idx.msk [tilespmem:v15+s28+$0x0], $0xffff;
	v10 =	vadd.f32 v12, v10  }
0x153: {  	s19 =	simm.s32 $0x8;
	v12 =	vld.idx.msk [tilespmem:v16+s28+$0x0], $0xffff;
	v16 =	vor.u32 s24, v0  }
0x154: {  	s29 =	simm.s32 $0x102;
	v18 =	vld.idx.msk [tilespmem:v18+s28+$0x0], $0xffff;
	v14 =	vor.u32 s19, v0;
	v10 =	vadd.f32 v13, v10  }
0x155: {  	s26 =	simm.s32 $0xE;
	v20 =	vld.idx.msk [tilespmem:v20+s28+$0x0], $0xffff;
	v13 =	vor.u32 s29, v0  }
0x156: {  	v24 =	vor.u32 s26, v0;
	v22 =	vld.idx.msk [tilespmem:v22+s28+$0x0], $0xffff;
	s24 =	simm.s32 $0x103;
	v10 =	vadd.f32 v11, v10  }
0x157: {  	s19 =	simm.s32 $0xB;
	v11 =	vld.idx.msk [tilespmem:v19+s28+$0x0], $0xffff;
	v19 =	vor.u32 s24, v0  }
0x158: {  	v21 =	vor.u32 s19, v0;
	s29 =	simm.s32 $0x104;
	v16 =	vld.idx.msk [tilespmem:v16+s28+$0x0], $0xffff;
	v10 =	vadd.f32 v15, v10  }
0x159: {  	s19 =	simm.s32 $0xD;
	v14 =	vld.idx.msk [tilespmem:v14+s28+$0x0], $0xffff;
	v15 =	vor.u32 s29, v0  }
0x15a: {  	v23 =	vor.u32 s19, v0;
	s24 =	simm.s32 $0x105;
	v13 =	vld.idx.msk [tilespmem:v13+s28+$0x0], $0xffff;
	v10 =	vadd.f32 v12, v10  }
0x15b: {  	v24 =	vld.idx.msk [tilespmem:v24+s28+$0x0], $0xffff;
	s29 =	simm.s32 $0x106;
	v12 =	vor.u32 s24, v0  }
0x15c: {  	s3 =	sadd.s32 $0x10D80, s4;
	s4 =	simm.s32 $0xF;
	v19 =	vld.idx.msk [tilespmem:v19+s28+$0x0], $0xffff;
	v10 =	vadd.f32 v17, v10;
	v17 =	vor.u32 s29, v0  }
0x15d: {  	v21 =	vld.idx.msk [tilespmem:v21+s28+$0x0], $0xffff;
	s24 =	simm.s32 $0x107;
	v11 =	vadd.f32 v16, v11;
	v16 =	vor.u32 s4, v0  }
0x15e: {  	s26 =	simm.s32 $0x109;
	v15 =	vld.idx.msk [tilespmem:v15+s28+$0x0], $0xffff;
	v10 =	vadd.f32 v14, v10;
	v14 =	vor.u32 s24, v0  }
0x15f: {  	v23 =	vld.idx.msk [tilespmem:v23+s28+$0x0], $0xffff;
	s29 =	simm.s32 $0x108;
	v11 =	vadd.f32 v13, v11;
	v13 =	vor.u32 s26, v0  }
0x160: {  	s19 =	simm.s32 $0x200;
	v12 =	vld.idx.msk [tilespmem:v12+s28+$0x0], $0xffff;
	v10 =	vadd.f32 v18, v10;
	v18 =	vor.u32 s29, v0  }
0x161: {  	s24 =	simm.s32 $0x201;
	v11 =	vadd.f32 v19, v11;
	v19 =	vor.u32 s19, v0;
	v17 =	vld.idx.msk [tilespmem:v17+s28+$0x0], $0xffff  }
0x162: {  	s26 =	simm.s32 $0x10A;
	v16 =	vld.idx.msk [tilespmem:v16+s28+$0x0], $0xffff;
	v10 =	vadd.f32 v20, v10;
	v20 =	vor.u32 s24, v0  }
0x163: {  	s29 =	simm.s32 $0x202;
	v11 =	vadd.f32 v15, v11;
	v15 =	vor.u32 s26, v0;
	v14 =	vld.idx.msk [tilespmem:v14+s28+$0x0], $0xffff  }
0x164: {  	s19 =	simm.s32 $0x10B;
	v13 =	vld.idx.msk [tilespmem:v13+s28+$0x0], $0xffff;
	v10 =	vadd.f32 v21, v10;
	v21 =	vor.u32 s29, v0  }
0x165: {  	s24 =	simm.s32 $0x203;
	v11 =	vadd.f32 v12, v11;
	v12 =	vld.idx.msk [tilespmem:v18+s28+$0x0], $0xffff;
	v18 =	vor.u32 s19, v0  }
0x166: {  	s26 =	simm.s32 $0x10C;
	v19 =	vld.idx.msk [tilespmem:v19+s28+$0x0], $0xffff;
	v10 =	vadd.f32 v22, v10;
	v22 =	vor.u32 s24, v0  }
0x167: {  	s19 =	simm.s32 $0x10D;
	v11 =	vadd.f32 v17, v11;
	v17 =	vor.u32 s26, v0;
	v20 =	vld.idx.msk [tilespmem:v20+s28+$0x0], $0xffff  }
0x168: {  	s29 =	simm.s32 $0x204;
	v25 =	vor.u32 s19, v0;
	v15 =	vld.idx.msk [tilespmem:v15+s28+$0x0], $0xffff;
	v10 =	vadd.f32 v23, v10  }
0x169: {  	s24 =	simm.s32 $0x205;
	v23 =	vor.u32 s29, v0;
	v11 =	vadd.f32 v14, v11;
	v21 =	vld.idx.msk [tilespmem:v21+s28+$0x0], $0xffff  }
0x16a: {  	s26 =	simm.s32 $0x10E;
	v63 =	vor.u32 s24, v0;
	v10 =	vadd.f32 v24, v10;
	v26 =	vld.idx.msk [tilespmem:v18+s28+$0x0], $0xffff  }
0x16b: {  	s29 =	simm.s32 $0x206;
	v11 =	vadd.f32 v12, v11;
	v12 =	vor.u32 s26, v0;
	v18 =	vld.idx.msk [tilespmem:v22+s28+$0x0], $0xffff  }
0x16c: {  	s18 =	simm.s32 $0x10F;
	v27 =	vor.u32 s29, v0;
	v16 =	vadd.f32 v16, v10;
	v10 =	vld.idx.msk [tilespmem:v17+s28+$0x0], $0xffff  }
0x16d: {  	s19 =	simm.s32 $0x207;
	v17 =	vadd.f32 v20, v19;
	v13 =	vadd.f32 v13, v11;
	v11 =	vld.idx.msk [tilespmem:v25+s28+$0x0], $0xffff;
	v19 =	vor.u32 s18, v0  }
0x16e: {  	s26 =	simm.s32 $0x209;
	v20 =	vor.u32 s19, v0;
	v14 =	vld.idx.msk [tilespmem:v23+s28+$0x0], $0xffff;
	v22 =	vadd.f32 v16, v9  }
0x16f: {  	s24 =	simm.s32 $0x208;
	v21 =	vadd.f32 v21, v17;
	v16 =	vld.idx.msk [tilespmem:v63+s28+$0x0], $0xffff;
	v13 =	vadd.f32 v15, v13;
	v15 =	vor.u32 s26, v0  }
0x170: {  	s4 =	simm.s32 $0x20F;
	s29 =	simm.s32 $0x300;
	v17 =	vor.u32 s24, v0;
	v12 =	vld.idx.msk [tilespmem:v12+s28+$0x0], $0xffff  }
0x171: {  	s18 =	simm.s32 $0x30F;
	s19 =	simm.s32 $0x40F;
	s24 =	simm.s32 $0x301;
	[tilespmem:s3+$0x0] =	vst v22;
	v22 =	vor.u32 s29, v0;
	v21 =	vadd.f32 v18, v21;
	v18 =	vld.idx.msk [tilespmem:v27+s28+$0x0], $0xffff;
	v13 =	vadd.f32 v26, v13  }
.LBB2_9:
0x172: {  	p1 =	sne.s32 s19, $0x70F;
	v23 =	vor.u32 s24, v0;
	s24 =	sadd.s32 $0xFFFFFFFB, s4;
	v19 =	vld.idx.msk [tilespmem:v19+s28+$0x0], $0xffff  }
0x173: {  	s26 =	sadd.s32 $0xFFFFFFF3, s18;
	v14 =	vadd.f32 v14, v21;
	v20 =	vld.idx.msk [tilespmem:v20+s28+$0x0], $0xffff;
	v21 =	vor.u32 s24, v0;
	v10 =	vadd.f32 v10, v13  }
0x174: {  	v13 =	vor.u32 s26, v0;
	s24 =	sadd.s32 $0xFFFFFFFC, s4;
	v15 =	vld.idx.msk [tilespmem:v15+s28+$0x0], $0xffff  }
0x175: {  	s26 =	sadd.s32 $0xFFFFFFF4, s18;
	v14 =	vadd.f32 v16, v14;
	v16 =	vld.idx.msk [tilespmem:v17+s28+$0x0], $0xffff;
	v17 =	vor.u32 s24, v0;
	v10 =	vadd.f32 v11, v10  }
0x176: {  	s24 =	sadd.s32 $0xFFFFFFFD, s4;
	v11 =	vld.idx.msk [tilespmem:v22+s28+$0x0], $0xffff;
	v22 =	vor.u32 s26, v0  }
0x177: {  	s26 =	sadd.s32 $0xFFFFFFF5, s18;
	v23 =	vld.idx.msk [tilespmem:v23+s28+$0x0], $0xffff;
	v14 =	vadd.f32 v18, v14;
	v18 =	vor.u32 s24, v0;
	v10 =	vadd.f32 v12, v10  }
0x178: {  	v12 =	vor.u32 s26, v0;
	s24 =	sadd.s32 $0xFFFFFFFE, s4;
	v21 =	vld.idx.msk [tilespmem:v21+s28+$0x0], $0xffff  }
0x179: {  	s26 =	sadd.s32 $0xFFFFFFF6, s18;
	v24 =	vor.u32 s24, v0;
	v13 =	vld.idx.msk [tilespmem:v13+s28+$0x0], $0xffff;
	v14 =	vadd.f32 v20, v14;
	v10 =	vadd.f32 v19, v10  }
0x17a: {  	v25 =	vor.u32 s26, v0;
	s24 =	sadd.s32 $0xFFFFFFFF, s4;
	v26 =	vld.idx.msk [tilespmem:v17+s28+$0x0], $0xffff  }
0x17b: {  	s26 =	sadd.s32 $0xFFFFFFF7, s18;
	v27 =	vld.idx.msk [tilespmem:v22+s28+$0x0], $0xffff;
	v16 =	vadd.f32 v16, v14;
	v22 =	vor.u32 s24, v0;
	v17 =	vadd.f32 v10, v9  }
0x17c: {  	s3 =	sadd.s32 $0x10, s3;
	v28 =	vor.u32 s26, v0;
	v10 =	vld.idx.msk [tilespmem:v18+s28+$0x0], $0xffff  }
.Ltmp5:
0x17d: {  	v19 =	vor.u32 s4, v0;
	s4 =	smov.u32 s18;
	s24 =	sadd.s32 $0xFFFFFFF8, s18;
	v18 =	vadd.f32 v23, v11;
	v14 =	vld.idx.msk [tilespmem:v12+s28+$0x0], $0xffff;
	v12 =	vadd.f32 v15, v16;
	[tilespmem:s3+$0x0] =	vst v17;
	(pc) =	sbr.rel @p1 .LBB2_9-.Ltmp5, $4  }
0x17e: {  	s18 =	smov.u32 s19;
	v20 =	vor.u32 s24, v0;
	s24 =	sadd.s32 $0xFFFFFFFA, s4;
	v11 =	vld.idx.msk [tilespmem:v24+s28+$0x0], $0xffff  }
0x17f: {  	s26 =	sadd.s32 $0xFFFFFFF9, s4;
	v15 =	vor.u32 s24, v0;
	v13 =	vadd.f32 v13, v18;
	v16 =	vld.idx.msk [tilespmem:v25+s28+$0x0], $0xffff;
	v23 =	vadd.f32 v21, v12  }
0x180: {  	s24 =	sadd.s32 $0xFFFFFFF1, s19;
	v17 =	vor.u32 s26, v0;
	v12 =	vld.idx.msk [tilespmem:v22+s28+$0x0], $0xffff  }
0x181: {  	s19 =	sadd.s32 $0x100, s19;
	v22 =	vor.u32 s24, v0;
	s24 =	sadd.s32 $0xFFFFFFF2, s18;
	v21 =	vadd.f32 v27, v13;
	v18 =	vld.idx.msk [tilespmem:v28+s28+$0x0], $0xffff;
	v13 =	vadd.f32 v26, v23  }
0x182: {  	v23 =	vor.u32 s24, v0  }
0x183: {  	s19 =	sadd.s32 $0xFFFFFFF3, s18  }
0x184: {  	v24 =	vor.u32 s19, v0  }
0x185: {  	s26 =	sadd.s32 $0xFFFFFFF4, s18  }
0x186: {  	v22 =	vld.idx.msk [tilespmem:v22+s28+$0x0], $0xffff;
	v25 =	vor.u32 s26, v0  }
0x187: {  	s29 =	sadd.s32 $0xFFFFFFF5, s18;
	v23 =	vld.idx.msk [tilespmem:v23+s28+$0x0], $0xffff  }
0x188: {  	v26 =	vor.u32 s29, v0  }
0x189: {  	s24 =	sadd.s32 $0xFFFFFFF6, s18;
	v24 =	vld.idx.msk [tilespmem:v24+s28+$0x0], $0xffff  }
0x18a: {  	v27 =	vor.u32 s24, v0  }
0x18b: {  	s26 =	sadd.s32 $0xFFFFFFF7, s18;
	v25 =	vld.idx.msk [tilespmem:v25+s28+$0x0], $0xffff  }
0x18c: {  	v41 =	vor.u32 s26, v0;
	v22 =	vadd.f32 v23, v22  }
0x18d: {  	s29 =	sadd.s32 $0xFFFFFFF8, s18;
	v26 =	vld.idx.msk [tilespmem:v26+s28+$0x0], $0xffff  }
0x18e: {  	v42 =	vor.u32 s29, v0;
	v22 =	vadd.f32 v24, v22  }
0x18f: {  	s24 =	sadd.s32 $0xFFFFFFF9, s18;
	v27 =	vld.idx.msk [tilespmem:v27+s28+$0x0], $0xffff  }
0x190: {  	v19 =	vld.idx.msk [tilespmem:v19+s28+$0x0], $0xffff;
	v43 =	vor.u32 s24, v0;
	v22 =	vadd.f32 v25, v22  }
0x191: {  	v14 =	vadd.f32 v14, v21;
	s26 =	sadd.s32 $0xFFFFFFFA, s18;
	v44 =	vld.idx.msk [tilespmem:v41+s28+$0x0], $0xffff  }
0x192: {  	v20 =	vld.idx.msk [tilespmem:v20+s28+$0x0], $0xffff;
	s29 =	sadd.s32 $0xFFFFFFFB, s4;
	v45 =	vor.u32 s26, v0;
	v22 =	vadd.f32 v26, v22  }
0x193: {  	v14 =	vadd.f32 v16, v14;
	v46 =	vor.u32 s29, v0;
	s26 =	sadd.s32 $0xFFFFFFFB, s18;
	v24 =	vld.idx.msk [tilespmem:v42+s28+$0x0], $0xffff  }
0x194: {  	v17 =	vld.idx.msk [tilespmem:v17+s28+$0x0], $0xffff;
	s29 =	sadd.s32 $0xFFFFFFFC, s4;
	v47 =	vor.u32 s26, v0;
	v22 =	vadd.f32 v27, v22  }
0x195: {  	v48 =	vor.u32 s29, v0;
	s26 =	sadd.s32 $0xFFFFFFFC, s18;
	v14 =	vadd.f32 v18, v14;
	v25 =	vld.idx.msk [tilespmem:v43+s28+$0x0], $0xffff  }
0x196: {  	v15 =	vld.idx.msk [tilespmem:v15+s28+$0x0], $0xffff;
	s29 =	sadd.s32 $0xFFFFFFFD, s4;
	v49 =	vor.u32 s26, v0;
	v21 =	vadd.f32 v44, v22  }
0x197: {  	v50 =	vor.u32 s29, v0;
	s26 =	sadd.s32 $0xFFFFFFFD, s18;
	v14 =	vadd.f32 v20, v14;
	v23 =	vld.idx.msk [tilespmem:v45+s28+$0x0], $0xffff  }
0x198: {  	s29 =	sadd.s32 $0xFFFFFFFE, s4;
	v51 =	vor.u32 s26, v0;
	v16 =	vld.idx.msk [tilespmem:v46+s28+$0x0], $0xffff;
	v21 =	vadd.f32 v24, v21  }
0x199: {  	s24 =	sadd.s32 $0xFFFFFFFE, s18;
	v52 =	vor.u32 s29, v0;
	v14 =	vadd.f32 v17, v14;
	v26 =	vld.idx.msk [tilespmem:v47+s28+$0x0], $0xffff  }
0x19a: {  	v53 =	vor.u32 s24, v0;
	s26 =	sadd.s32 $0xFFFFFFFF, s4;
	v18 =	vld.idx.msk [tilespmem:v48+s28+$0x0], $0xffff;
	v21 =	vadd.f32 v25, v21  }
0x19b: {  	s29 =	sadd.s32 $0xFFFFFFFF, s18;
	v54 =	vor.u32 s26, v0;
	v14 =	vadd.f32 v15, v14;
	v22 =	vld.idx.msk [tilespmem:v49+s28+$0x0], $0xffff  }
0x19c: {  	v55 =	vor.u32 s29, v0;
	v20 =	vld.idx.msk [tilespmem:v50+s28+$0x0], $0xffff;
	v21 =	vadd.f32 v23, v21  }
0x19d: {  	v56 =	vor.u32 s4, v0;
	v14 =	vadd.f32 v16, v14;
	v24 =	vld.idx.msk [tilespmem:v51+s28+$0x0], $0xffff  }
0x19e: {  	v57 =	vor.u32 s18, v0;
	v17 =	vld.idx.msk [tilespmem:v52+s28+$0x0], $0xffff;
	v21 =	vadd.f32 v26, v21  }
0x19f: {  	v58 =	vld.idx.msk [tilespmem:v53+s28+$0x0], $0xffff;
	v14 =	vadd.f32 v18, v14  }
0x1a0: {  	v10 =	vadd.f32 v10, v13;
	v59 =	vld.idx.msk [tilespmem:v54+s28+$0x0], $0xffff;
	v60 =	vadd.f32 v22, v21  }
0x1a1: {  	v61 =	vld.idx.msk [tilespmem:v55+s28+$0x0], $0xffff;
	v14 =	vadd.f32 v20, v14  }
0x1a2: {  	v10 =	vadd.f32 v11, v10;
	v11 =	vld.idx.msk [tilespmem:v56+s28+$0x0], $0xffff;
	v15 =	vadd.f32 v24, v60  }
0x1a3: {  	v62 =	vld.idx.msk [tilespmem:v57+s28+$0x0], $0xffff;
	v14 =	vadd.f32 v17, v14  }
0x1a4: {  	v10 =	vadd.f32 v12, v10;
	v63 =	vadd.f32 v58, v15  }
0x1a5: {  	v13 =	vadd.f32 v59, v14  }
0x1a6: {  	v10 =	vadd.f32 v19, v10;
	v12 =	vadd.f32 v61, v63  }
0x1a7: {  	v11 =	vadd.f32 v11, v13  }
.Ltmp6:
0x1a8: {  	v10 =	vadd.f32 v10, v9;
	v12 =	vadd.f32 v62, v12;
	(pc) =	sbr.rel @p0 .LBB2_12-.Ltmp6, $4  }
0x1a9: {  	s3 =	sadd.s32 $0x10, s3;
	v11 =	vadd.f32 v11, v9  }
0x1aa: {  	[tilespmem:s3+$0x0] =	vst v10;
	s3 =	sadd.s32 $0x10, s3;
	v10 =	vadd.f32 v12, v9  }
0x1ab: {  	[tilespmem:s3+$0x0] =	vst v11;
	s3 =	sadd.s32 $0x10, s3  }
0x1ac: {  	[tilespmem:s3+$0x0] =	vst v10  }
.Ltmp7:
0x1ad: {  	(pc) =	sbr.rel .LBB2_2-.Ltmp7, $4  }
0x1ae: {  	_ = 	snop  }
0x1af: {  	[tilespmem:s22], [sflag:$0x2] =	stream.indirect.gather [hbm4b:s1+s14], $0x80, s30, s14, $0xb8;
	[tilespmem:$0x10F00] =	vst v63  }
0x1b0: {  	s3 =	simm.s32 $0x400;
	p0 =	por $0x1, $0x1  }
0x1b1: {  	[tilespmem:s23], [sflag:$0x4] =	stream.indirect.gather [hbm4b:s2+s14], $0x80, s31, s14, $0xb8;
	[tilespmem:$0x10F00] =	vst v63  }
.LBB2_13:
0x1b2: {  	_ =	sfence.sel $0x180000  }
0x1b3: {  	[bflag:$0x0] =	sbarrier.arrive $0xFFFF  }
0x1b4: {  	_ =	strace $0x90000047  }
0x1b5: {  	s0 =	stileid.u32;
	[bflag:$0x2] =	sbarrier.arrive $0xFFFF  }
0x1b6: {  	p0 =	sne.s32 s0, $0x0;
	s0 =	rddreg [dreg:$0x7]  }
0x1b7: {  	s0 =	sadd.s32 @!p0 $0x100000, s0  }
0x1b8: {  	[sflag:s0] =	ssyncadd.tile.s32 @!p0 $0x1;
	_ =	shalt  }
.Lfunc_end2:
_tile_overlayer_lowered:
.L_overlay_start_2:
0x1b9: {  	(tag) =	ssettag $0x2  }
0x1ba: {  	s0 =	rddreg [dreg:$0x0];
	s2 =	stileid.u32  }
0x1bb: {  	s1 =	rddreg [dreg:$0x1];
	p0 =	sne.s32 s2, $0x0  }
0x1bc: {  	s3 =	rddreg [dreg:$0x2];
	[bflag:$0x3] =	sbarrier.arrive $0xFFFF;
	s2 =	simm.s32 @!p0 $0x1C05  }
0x1bd: {  	[timem:s3], [sflag:s2] =	dma.local @!p0 [hbm:s0], s1  }
0x1be: {  	s0 =	simm.s32 @!p0 $0x5  }
0x1bf: {  	_ =	swait.ge @!p0 [sflag:s0], s1  }
0x1c0: {  	s1 =	ssub.s32 @!p0 $0x0, s1;
	[sflag:s0] =	ssyncset.done @!p0 $0x0  }
0x1c1: {  	[sflag:s0] =	ssyncadd.s32 @!p0 s1  }
0x1c2: {  	[bflag:$0x3] =	sbarrier.arrive $0xFFFF  }
0x1c3: {  	_ =	shalt  }

</sc_bundles>
